<compile_context>
chip_gen: v7x
topology: tpu7x:2x2x1
jax: 0.10.2.dev20260603
libtpu: 0.0.44.dev20260713+nightly
codegen_flags: <defaults>
</compile_context>

<pallas_src>
import functools

import jax
import jax.numpy as jnp
from jax import lax
from jax.experimental import pallas as pl
from jax.experimental.pallas import tpu as pltpu
from jax.experimental.pallas import tpu_sc as plsc

K = 8192
D = 8
N = 32768
BN = 1024
NT = N // BN

DP = 128
NW = 32
RPW = N // NW
IDX_CHUNK = 128


def _dist_argmin_body(x2_ref, embt_ref, idx_ref):
    x2 = x2_ref[...]
    embt = embt_ref[...]
    xsq = jnp.sum(x2 * x2, axis=1, keepdims=True) * 0.25
    esq = jnp.sum(embt * embt, axis=0, keepdims=True)
    cross2 = lax.dot_general(x2, embt, (((1,), (0,)), ((), ())),
                             preferred_element_type=jnp.float32)
    d2 = (xsq + esq) - cross2
    dist = jnp.sqrt(jnp.maximum(d2, 0.0))
    H = K // 2
    d0 = dist[:, :H]
    d1 = dist[:, H:]
    lanes = lax.broadcasted_iota(jnp.int32, (BN, H), 1)
    m0 = jnp.min(d0, axis=1, keepdims=True)
    i0 = jnp.min(jnp.where(d0 == m0, lanes, K), axis=1)
    m1 = jnp.min(d1, axis=1, keepdims=True)
    i1 = jnp.min(jnp.where(d1 == m1, lanes + H, K), axis=1)
    m0r = m0.astype(jnp.bfloat16).astype(jnp.float32)
    idx = jnp.where(m1[:, 0] < m0r[:, 0], i1, i0)
    idx_ref[0, 0, :] = idx


def _tc_dist_argmin(xf, embt):
    return pl.pallas_call(
        _dist_argmin_body,
        grid=(NT,),
        in_specs=[
            pl.BlockSpec((BN, DP), lambda i: (i, 0)),
            pl.BlockSpec((DP, K), lambda i: (0, 0)),
        ],
        out_specs=pl.BlockSpec((1, 1, BN), lambda i: (i, 0, 0)),
        out_shape=jax.ShapeDtypeStruct((NT, 1, BN), jnp.int32),
        compiler_params=pltpu.CompilerParams(
            dimension_semantics=("arbitrary",),
        ),
    )(xf, embt)


@functools.cache
def _make_sc_gather_loss():
    return pl.kernel(
        _sc_gather_loss_body,
        mesh=plsc.VectorSubcoreMesh(core_axis_name="c", subcore_axis_name="s"),
        out_type=[
            jax.ShapeDtypeStruct((N * D,), jnp.float32),
            jax.ShapeDtypeStruct((NW * 16,), jnp.float32),
        ],
        scratch_types=[
            pltpu.VMEM((RPW,), jnp.int32),
            pltpu.VMEM((RPW * D,), jnp.int32),
            pltpu.VMEM((RPW * D,), jnp.float32),
            pltpu.VMEM((RPW * D,), jnp.float32),
            pltpu.VMEM((16,), jnp.float32),
            pltpu.SemaphoreType.DMA,
        ],
    )


def _sc_gather_loss_body(emb_hbm, idx_hbm, xf_hbm, out_hbm, part_hbm,
                         idx_v, widx_v, rows_v, xf_v, acc_v, sem):
    wid = lax.axis_index("s") * 2 + lax.axis_index("c")
    base = wid * RPW
    pltpu.sync_copy(idx_hbm.at[pl.ds(base, RPW)], idx_v)
    pltpu.sync_copy(xf_hbm.at[pl.ds(base * D, RPW * D)], xf_v)

    lane = lax.iota(jnp.int32, 16)
    rep = lane >> 3
    off = lane & 7
    dnums = lax.GatherDimensionNumbers(
        offset_dims=(), collapsed_slice_dims=(0,), start_index_map=(0,))

    def tile_body(t, _):
        tile = idx_v[pl.ds(t * 16, 16)]
        for c in range(8):
            vals = lax.gather(
                tile, (2 * c + rep)[:, None], dnums, (1,),
                mode=lax.GatherScatterMode.PROMISE_IN_BOUNDS)
            widx_v[pl.ds(t * 128 + c * 16, 16)] = vals * 8 + off
        return 0

    lax.fori_loop(0, RPW // 16, tile_body, 0)

    copies = []
    for g in range(RPW * D // IDX_CHUNK):
        copies.append(pltpu.async_copy(
            emb_hbm.at[widx_v.at[pl.ds(g * IDX_CHUNK, IDX_CHUNK)]],
            rows_v.at[pl.ds(g * IDX_CHUNK, IDX_CHUNK)],
            sem,
        ))
    for c in copies:
        c.wait()

    def body(i, acc):
        dlt = rows_v[pl.ds(i * 16, 16)] - xf_v[pl.ds(i * 16, 16)]
        return acc + dlt * dlt

    acc = lax.fori_loop(0, RPW * D // 16, body, jnp.zeros((16,), jnp.float32))
    acc_v[...] = acc
    pltpu.sync_copy(rows_v, out_hbm.at[pl.ds(base * D, RPW * D)])
    pltpu.sync_copy(acc_v, part_hbm.at[pl.ds(wid * 16, 16)])


def kernel(x, embeddings):
    xf = x.reshape(N, D)
    xf2_p = jnp.pad(xf + xf, ((0, 0), (0, DP - D)))
    embt_p = jnp.pad(embeddings.T, ((0, DP - D), (0, 0)))
    idx3 = _tc_dist_argmin(xf2_p, embt_p)
    indices = idx3.reshape(N)
    q, parts = _make_sc_gather_loss()(embeddings.reshape(-1), indices,
                                      xf.reshape(-1))
    m = jnp.sum(parts) / jnp.float32(N * D)
    loss = m + jnp.float32(0.25) * m
    quantized = q.reshape(x.shape)
    return (quantized, loss, indices)

# --- scband reference (transcript-rebuilt; emitter-appended) ---
"""Pipeline reference for scband-vector-quantizer-73839077753453 (READ-ONLY COPY).

The authoritative reference and input builder live on the scoring server;
editing this copy changes nothing except your own understanding.
"""

import jax, jax.numpy as jnp
import numpy as np

NUM_EMBEDDINGS = 8192
EMBEDDING_DIM = 8
COMMITMENT_COST = 0.25


def setup_inputs(seed: int = 0) -> dict:
    key = jax.random.key(seed)
    k1, k2 = jax.random.split(key)
    x = jax.random.normal(k1, (32, 1024, EMBEDDING_DIM), dtype=jnp.float32)
    embeddings = jax.random.normal(k2, (NUM_EMBEDDINGS, EMBEDDING_DIM), dtype=jnp.float32)
    return {"x": x, "embeddings": embeddings}


def reference(x, embeddings):
    # flatten to [N, D]
    flat_x = x.reshape(-1, EMBEDDING_DIM)
    # torch.cdist equivalent: pairwise euclidean distances [N, K]
    x_sq = jnp.sum(flat_x * flat_x, axis=1, keepdims=True)
    e_sq = jnp.sum(embeddings * embeddings, axis=1)[None, :]
    sq_dist = x_sq + e_sq - 2.0 * (flat_x @ embeddings.T)
    distances = jnp.sqrt(jnp.maximum(sq_dist, 0.0))
    encoding_indices = jnp.argmin(distances, axis=1)
    # embedding gather (SparseCore-friendly)
    quantized = jnp.take(embeddings, encoding_indices, axis=0).reshape(x.shape)
    codebook_loss = jnp.mean((jax.lax.stop_gradient(quantized) - x) ** 2)
    commitment_loss = COMMITMENT_COST * jnp.mean((quantized - jax.lax.stop_gradient(x)) ** 2)
    loss = codebook_loss + commitment_loss
    # straight-through estimator
    quantized_st = x + jax.lax.stop_gradient(quantized - x)
    return (quantized_st, loss, encoding_indices)

if __name__ == "__main__":
    import jax
    _d = setup_inputs()
    print(jax.jit(kernel)(*tuple(_d.values())))

</pallas_src>

<mosaic_0001>
#map = affine_map<(d0, d1) -> (0)>
module attributes {stable_mosaic.version = 14 : i64} {
  func.func @_sc_gather_loss_body(%arg0: i32, %arg1: i32, %arg2: memref<65536xf32, #tpu.memory_space<hbm>>, %arg3: memref<32768xi32, #tpu.memory_space<hbm>>, %arg4: memref<262144xf32, #tpu.memory_space<hbm>>, %arg5: memref<262144xf32, #tpu.memory_space<hbm>>, %arg6: memref<512xf32, #tpu.memory_space<hbm>>, %arg7: memref<1024xi32, #tpu.memory_space<vmem>>, %arg8: memref<8192xi32, #tpu.memory_space<vmem>>, %arg9: memref<8192xf32, #tpu.memory_space<vmem>>, %arg10: memref<8192xf32, #tpu.memory_space<vmem>>, %arg11: memref<16xf32, #tpu.memory_space<vmem>>, %arg12: memref<!tpu.dma_semaphore, #tpu.memory_space<semaphore_mem>>) attributes {dimension_semantics = [#tpu.dimension_semantics<core_parallel>, #tpu.dimension_semantics<subcore_parallel>], iteration_bounds = array<i64: 2, 16>, scalar_prefetch = 0 : i64, scratch_operands = 6 : i64, tpu.core_type = #tpu.core_type<sc_vector_subcore>, window_params = [{transform_indices = #map}, {transform_indices = #map}, {transform_indices = #map}, {transform_indices = #map}, {transform_indices = #map}]} {
    %mul3A = arith.constant 2 : i32
    %mul3A_0 = arith.muli %arg1, %mul3A : i32
    %add3A = arith.addi %mul3A_0, %arg0 : i32
    %mul3A_1 = arith.constant 1024 : i32
    %mul3A_2 = arith.muli %add3A, %mul3A_1 : i32
    "tpu.region"() ({
      %run_scoped3A = tpu.sem_alloc : memref<!tpu.dma_semaphore, #tpu.memory_space<semaphore_mem>>
      %dma_start3A_795 = tpu.memref_slice %arg3[%mul3A_2] : memref<32768xi32, #tpu.memory_space<hbm>> -> memref<1024xi32, #tpu.memory_space<hbm>>
      %dma_start3A_796 = tpu.memref_slice %arg3[%mul3A_2] : memref<32768xi32, #tpu.memory_space<hbm>> -> memref<1024xi32, #tpu.memory_space<hbm>>
      tpu.enqueue_dma source(%dma_start3A_796 : memref<1024xi32, #tpu.memory_space<hbm>>) target(%arg7 : memref<1024xi32, #tpu.memory_space<vmem>>) target_semaphore(%run_scoped3A : memref<!tpu.dma_semaphore, #tpu.memory_space<semaphore_mem>>)
      %dma_wait3A_797 = tpu.memref_slice %arg3[%mul3A_2] : memref<32768xi32, #tpu.memory_space<hbm>> -> memref<1024xi32, #tpu.memory_space<hbm>>
      %dma_wait3A_798 = tpu.memref_slice %arg3[%mul3A_2] : memref<32768xi32, #tpu.memory_space<hbm>> -> memref<1024xi32, #tpu.memory_space<hbm>>
      tpu.wait_dma2 semaphore(%run_scoped3A : memref<!tpu.dma_semaphore, #tpu.memory_space<semaphore_mem>>) src(%dma_wait3A_798 : memref<1024xi32, #tpu.memory_space<hbm>>) dst(%arg7 : memref<1024xi32, #tpu.memory_space<vmem>>)
      tpu.yield
    }) : () -> ()
    %mul3A_3 = arith.constant 8 : i32
    %mul3A_4 = arith.muli %mul3A_2, %mul3A_3 : i32
    "tpu.region"() ({
      %run_scoped3A = tpu.sem_alloc : memref<!tpu.dma_semaphore, #tpu.memory_space<semaphore_mem>>
      %dma_start3A_795 = tpu.memref_slice %arg4[%mul3A_4] : memref<262144xf32, #tpu.memory_space<hbm>> -> memref<8192xf32, #tpu.memory_space<hbm>>
      %dma_start3A_796 = tpu.memref_slice %arg4[%mul3A_4] : memref<262144xf32, #tpu.memory_space<hbm>> -> memref<8192xf32, #tpu.memory_space<hbm>>
      tpu.enqueue_dma source(%dma_start3A_796 : memref<8192xf32, #tpu.memory_space<hbm>>) target(%arg10 : memref<8192xf32, #tpu.memory_space<vmem>>) target_semaphore(%run_scoped3A : memref<!tpu.dma_semaphore, #tpu.memory_space<semaphore_mem>>)
      %dma_wait3A_797 = tpu.memref_slice %arg4[%mul3A_4] : memref<262144xf32, #tpu.memory_space<hbm>> -> memref<8192xf32, #tpu.memory_space<hbm>>
      %dma_wait3A_798 = tpu.memref_slice %arg4[%mul3A_4] : memref<262144xf32, #tpu.memory_space<hbm>> -> memref<8192xf32, #tpu.memory_space<hbm>>
      tpu.wait_dma2 semaphore(%run_scoped3A : memref<!tpu.dma_semaphore, #tpu.memory_space<semaphore_mem>>) src(%dma_wait3A_798 : memref<8192xf32, #tpu.memory_space<hbm>>) dst(%arg10 : memref<8192xf32, #tpu.memory_space<vmem>>)
      tpu.yield
    }) : () -> ()
    %iota3A = tpu.iota {dimensions = array<i32: 0>} : vector<16xi32>
    %shift_right_arithmetic3A = arith.constant 3 : i32
    %shift_right_arithmetic3A_5 = vector.broadcast %shift_right_arithmetic3A : i32 to vector<16xi32>
    %shift_right_arithmetic3A_6 = arith.shrsi %iota3A, %shift_right_arithmetic3A_5 : vector<16xi32>
    %and3A = arith.constant 7 : i32
    %and3A_7 = vector.broadcast %and3A : i32 to vector<16xi32>
    %and3A_8 = arith.andi %iota3A, %and3A_7 : vector<16xi32>
    %scan3A = arith.constant 0 : i32
    %scan3A_9 = arith.constant 0 : i32
    %scan3A_10 = arith.constant 64 : i32
    %scan3A_11 = arith.addi %scan3A_9, %scan3A_10 : i32
    %scan3A_12 = arith.constant 1 : i32
    %scan3A_13 = scf.for %scan3A_795 = %scan3A_9 to %scan3A_11 step %scan3A_12 iter_args(%scan3A_796 = %scan3A) -> (i32)  : i32 {
      %mul3A_797 = arith.constant 16 : i32
      %mul3A_798 = arith.muli %scan3A_795, %mul3A_797 : i32
      %get3A = arith.index_cast %mul3A_798 : i32 to index
      %get3A_799 = tpu.vector_load %arg7[%get3A] {strides = array<i32>} : memref<1024xi32, #tpu.memory_space<vmem>>, vector<16xi32>,
      %get3A_800 = vector.shape_cast %get3A_799 : vector<16xi32> to vector<16xi32>
      %add3A_801 = arith.constant 0 : i32
      %add3A_802 = vector.broadcast %add3A_801 : i32 to vector<16xi32>
      %add3A_803 = arith.addi %add3A_802, %shift_right_arithmetic3A_6 : vector<16xi32>
      %broadcast_in_dim3A_804 = vector.shape_cast %add3A_803 : vector<16xi32> to vector<16x1xi32>
      %gather3A = vector.shape_cast %broadcast_in_dim3A_804 : vector<16x1xi32> to vector<16xi32>
      %gather3A_805 = tpu.dynamic_gather %get3A_800[%gather3A] in [0] : vector<16xi32>, vector<16xi32> -> vector<16xi32>
      %mul3A_806 = arith.constant 8 : i32
      %mul3A_807 = vector.broadcast %mul3A_806 : i32 to vector<16xi32>
      %mul3A_808 = arith.muli %gather3A_805, %mul3A_807 : vector<16xi32>
      %add3A_809 = arith.addi %mul3A_808, %and3A_8 : vector<16xi32>
      %mul3A_810 = arith.constant 128 : i32
      %mul3A_811 = arith.muli %scan3A_795, %mul3A_810 : i32
      %add3A_812 = arith.constant 0 : i32
      %add3A_813 = arith.addi %mul3A_811, %add3A_812 : i32
      %swap3A_814 = arith.index_cast %add3A_813 : i32 to index
      %swap3A_815 = tpu.vector_load %arg8[%swap3A_814] {strides = array<i32>} : memref<8192xi32, #tpu.memory_space<vmem>>, vector<16xi32>,
      %swap3A_816 = vector.shape_cast %swap3A_815 : vector<16xi32> to vector<16xi32>
      %swap3A_817 = vector.shape_cast %add3A_809 : vector<16xi32> to vector<16xi32>
      tpu.vector_store %arg8[%swap3A_814], %swap3A_817 {strides = array<i32>} : memref<8192xi32, #tpu.memory_space<vmem>>, vector<16xi32>,
      %add3A_818 = arith.constant 2 : i32
      %add3A_819 = vector.broadcast %add3A_818 : i32 to vector<16xi32>
      %add3A_820 = arith.addi %add3A_819, %shift_right_arithmetic3A_6 : vector<16xi32>
      %broadcast_in_dim3A_821 = vector.shape_cast %add3A_820 : vector<16xi32> to vector<16x1xi32>
      %gather3A_822 = vector.shape_cast %broadcast_in_dim3A_821 : vector<16x1xi32> to vector<16xi32>
      %gather3A_823 = tpu.dynamic_gather %get3A_800[%gather3A_822] in [0] : vector<16xi32>, vector<16xi32> -> vector<16xi32>
      %mul3A_824 = arith.constant 8 : i32
      %mul3A_825 = vector.broadcast %mul3A_824 : i32 to vector<16xi32>
      %mul3A_826 = arith.muli %gather3A_823, %mul3A_825 : vector<16xi32>
      %add3A_827 = arith.addi %mul3A_826, %and3A_8 : vector<16xi32>
      %mul3A_828 = arith.constant 128 : i32
      %mul3A_829 = arith.muli %scan3A_795, %mul3A_828 : i32
      %add3A_830 = arith.constant 16 : i32
      %add3A_831 = arith.addi %mul3A_829, %add3A_830 : i32
      %swap3A_832 = arith.index_cast %add3A_831 : i32 to index
      %swap3A_833 = tpu.vector_load %arg8[%swap3A_832] {strides = array<i32>} : memref<8192xi32, #tpu.memory_space<vmem>>, vector<16xi32>,
      %swap3A_834 = vector.shape_cast %swap3A_833 : vector<16xi32> to vector<16xi32>
      %swap3A_835 = vector.shape_cast %add3A_827 : vector<16xi32> to vector<16xi32>
      tpu.vector_store %arg8[%swap3A_832], %swap3A_835 {strides = array<i32>} : memref<8192xi32, #tpu.memory_space<vmem>>, vector<16xi32>,
      %add3A_836 = arith.constant 4 : i32
      %add3A_837 = vector.broadcast %add3A_836 : i32 to vector<16xi32>
      %add3A_838 = arith.addi %add3A_837, %shift_right_arithmetic3A_6 : vector<16xi32>
      %broadcast_in_dim3A_839 = vector.shape_cast %add3A_838 : vector<16xi32> to vector<16x1xi32>
      %gather3A_840 = vector.shape_cast %broadcast_in_dim3A_839 : vector<16x1xi32> to vector<16xi32>
      %gather3A_841 = tpu.dynamic_gather %get3A_800[%gather3A_840] in [0] : vector<16xi32>, vector<16xi32> -> vector<16xi32>
      %mul3A_842 = arith.constant 8 : i32
      %mul3A_843 = vector.broadcast %mul3A_842 : i32 to vector<16xi32>
      %mul3A_844 = arith.muli %gather3A_841, %mul3A_843 : vector<16xi32>
      %add3A_845 = arith.addi %mul3A_844, %and3A_8 : vector<16xi32>
      %mul3A_846 = arith.constant 128 : i32
      %mul3A_847 = arith.muli %scan3A_795, %mul3A_846 : i32
      %add3A_848 = arith.constant 32 : i32
      %add3A_849 = arith.addi %mul3A_847, %add3A_848 : i32
      %swap3A_850 = arith.index_cast %add3A_849 : i32 to index
      %swap3A_851 = tpu.vector_load %arg8[%swap3A_850] {strides = array<i32>} : memref<8192xi32, #tpu.memory_space<vmem>>, vector<16xi32>,
      %swap3A_852 = vector.shape_cast %swap3A_851 : vector<16xi32> to vector<16xi32>
      %swap3A_853 = vector.shape_cast %add3A_845 : vector<16xi32> to vector<16xi32>
      tpu.vector_store %arg8[%swap3A_850], %swap3A_853 {strides = array<i32>} : memref<8192xi32, #tpu.memory_space<vmem>>, vector<16xi32>,
      %add3A_854 = arith.constant 6 : i32
      %add3A_855 = vector.broadcast %add3A_854 : i32 to vector<16xi32>
      %add3A_856 = arith.addi %add3A_855, %shift_right_arithmetic3A_6 : vector<16xi32>
      %broadcast_in_dim3A_857 = vector.shape_cast %add3A_856 : vector<16xi32> to vector<16x1xi32>
      %gather3A_858 = vector.shape_cast %broadcast_in_dim3A_857 : vector<16x1xi32> to vector<16xi32>
      %gather3A_859 = tpu.dynamic_gather %get3A_800[%gather3A_858] in [0] : vector<16xi32>, vector<16xi32> -> vector<16xi32>
      %mul3A_860 = arith.constant 8 : i32
      %mul3A_861 = vector.broadcast %mul3A_860 : i32 to vector<16xi32>
      %mul3A_862 = arith.muli %gather3A_859, %mul3A_861 : vector<16xi32>
      %add3A_863 = arith.addi %mul3A_862, %and3A_8 : vector<16xi32>
      %mul3A_864 = arith.constant 128 : i32
      %mul3A_865 = arith.muli %scan3A_795, %mul3A_864 : i32
      %add3A_866 = arith.constant 48 : i32
      %add3A_867 = arith.addi %mul3A_865, %add3A_866 : i32
      %swap3A_868 = arith.index_cast %add3A_867 : i32 to index
      %swap3A_869 = tpu.vector_load %arg8[%swap3A_868] {strides = array<i32>} : memref<8192xi32, #tpu.memory_space<vmem>>, vector<16xi32>,
      %swap3A_870 = vector.shape_cast %swap3A_869 : vector<16xi32> to vector<16xi32>
      %swap3A_871 = vector.shape_cast %add3A_863 : vector<16xi32> to vector<16xi32>
      tpu.vector_store %arg8[%swap3A_868], %swap3A_871 {strides = array<i32>} : memref<8192xi32, #tpu.memory_space<vmem>>, vector<16xi32>,
      %add3A_872 = arith.constant 8 : i32
      %add3A_873 = vector.broadcast %add3A_872 : i32 to vector<16xi32>
      %add3A_874 = arith.addi %add3A_873, %shift_right_arithmetic3A_6 : vector<16xi32>
      %broadcast_in_dim3A_875 = vector.shape_cast %add3A_874 : vector<16xi32> to vector<16x1xi32>
      %gather3A_876 = vector.shape_cast %broadcast_in_dim3A_875 : vector<16x1xi32> to vector<16xi32>
      %gather3A_877 = tpu.dynamic_gather %get3A_800[%gather3A_876] in [0] : vector<16xi32>, vector<16xi32> -> vector<16xi32>
      %mul3A_878 = arith.constant 8 : i32
      %mul3A_879 = vector.broadcast %mul3A_878 : i32 to vector<16xi32>
      %mul3A_880 = arith.muli %gather3A_877, %mul3A_879 : vector<16xi32>
      %add3A_881 = arith.addi %mul3A_880, %and3A_8 : vector<16xi32>
      %mul3A_882 = arith.constant 128 : i32
      %mul3A_883 = arith.muli %scan3A_795, %mul3A_882 : i32
      %add3A_884 = arith.constant 64 : i32
      %add3A_885 = arith.addi %mul3A_883, %add3A_884 : i32
      %swap3A_886 = arith.index_cast %add3A_885 : i32 to index
      %swap3A_887 = tpu.vector_load %arg8[%swap3A_886] {strides = array<i32>} : memref<8192xi32, #tpu.memory_space<vmem>>, vector<16xi32>,
      %swap3A_888 = vector.shape_cast %swap3A_887 : vector<16xi32> to vector<16xi32>
      %swap3A_889 = vector.shape_cast %add3A_881 : vector<16xi32> to vector<16xi32>
      tpu.vector_store %arg8[%swap3A_886], %swap3A_889 {strides = array<i32>} : memref<8192xi32, #tpu.memory_space<vmem>>, vector<16xi32>,
      %add3A_890 = arith.constant 10 : i32
      %add3A_891 = vector.broadcast %add3A_890 : i32 to vector<16xi32>
      %add3A_892 = arith.addi %add3A_891, %shift_right_arithmetic3A_6 : vector<16xi32>
      %broadcast_in_dim3A_893 = vector.shape_cast %add3A_892 : vector<16xi32> to vector<16x1xi32>
      %gather3A_894 = vector.shape_cast %broadcast_in_dim3A_893 : vector<16x1xi32> to vector<16xi32>
      %gather3A_895 = tpu.dynamic_gather %get3A_800[%gather3A_894] in [0] : vector<16xi32>, vector<16xi32> -> vector<16xi32>
      %mul3A_896 = arith.constant 8 : i32
      %mul3A_897 = vector.broadcast %mul3A_896 : i32 to vector<16xi32>
      %mul3A_898 = arith.muli %gather3A_895, %mul3A_897 : vector<16xi32>
      %add3A_899 = arith.addi %mul3A_898, %and3A_8 : vector<16xi32>
      %mul3A_900 = arith.constant 128 : i32
      %mul3A_901 = arith.muli %scan3A_795, %mul3A_900 : i32
      %add3A_902 = arith.constant 80 : i32
      %add3A_903 = arith.addi %mul3A_901, %add3A_902 : i32
      %swap3A_904 = arith.index_cast %add3A_903 : i32 to index
      %swap3A_905 = tpu.vector_load %arg8[%swap3A_904] {strides = array<i32>} : memref<8192xi32, #tpu.memory_space<vmem>>, vector<16xi32>,
      %swap3A_906 = vector.shape_cast %swap3A_905 : vector<16xi32> to vector<16xi32>
      %swap3A_907 = vector.shape_cast %add3A_899 : vector<16xi32> to vector<16xi32>
      tpu.vector_store %arg8[%swap3A_904], %swap3A_907 {strides = array<i32>} : memref<8192xi32, #tpu.memory_space<vmem>>, vector<16xi32>,
      %add3A_908 = arith.constant 12 : i32
      %add3A_909 = vector.broadcast %add3A_908 : i32 to vector<16xi32>
      %add3A_910 = arith.addi %add3A_909, %shift_right_arithmetic3A_6 : vector<16xi32>
      %broadcast_in_dim3A_911 = vector.shape_cast %add3A_910 : vector<16xi32> to vector<16x1xi32>
      %gather3A_912 = vector.shape_cast %broadcast_in_dim3A_911 : vector<16x1xi32> to vector<16xi32>
      %gather3A_913 = tpu.dynamic_gather %get3A_800[%gather3A_912] in [0] : vector<16xi32>, vector<16xi32> -> vector<16xi32>
      %mul3A_914 = arith.constant 8 : i32
      %mul3A_915 = vector.broadcast %mul3A_914 : i32 to vector<16xi32>
      %mul3A_916 = arith.muli %gather3A_913, %mul3A_915 : vector<16xi32>
      %add3A_917 = arith.addi %mul3A_916, %and3A_8 : vector<16xi32>
      %mul3A_918 = arith.constant 128 : i32
      %mul3A_919 = arith.muli %scan3A_795, %mul3A_918 : i32
      %add3A_920 = arith.constant 96 : i32
      %add3A_921 = arith.addi %mul3A_919, %add3A_920 : i32
      %swap3A_922 = arith.index_cast %add3A_921 : i32 to index
      %swap3A_923 = tpu.vector_load %arg8[%swap3A_922] {strides = array<i32>} : memref<8192xi32, #tpu.memory_space<vmem>>, vector<16xi32>,
      %swap3A_924 = vector.shape_cast %swap3A_923 : vector<16xi32> to vector<16xi32>
      %swap3A_925 = vector.shape_cast %add3A_917 : vector<16xi32> to vector<16xi32>
      tpu.vector_store %arg8[%swap3A_922], %swap3A_925 {strides = array<i32>} : memref<8192xi32, #tpu.memory_space<vmem>>, vector<16xi32>,
      %add3A_926 = arith.constant 14 : i32
      %add3A_927 = vector.broadcast %add3A_926 : i32 to vector<16xi32>
      %add3A_928 = arith.addi %add3A_927, %shift_right_arithmetic3A_6 : vector<16xi32>
      %broadcast_in_dim3A_929 = vector.shape_cast %add3A_928 : vector<16xi32> to vector<16x1xi32>
      %gather3A_930 = vector.shape_cast %broadcast_in_dim3A_929 : vector<16x1xi32> to vector<16xi32>
      %gather3A_931 = tpu.dynamic_gather %get3A_800[%gather3A_930] in [0] : vector<16xi32>, vector<16xi32> -> vector<16xi32>
      %mul3A_932 = arith.constant 8 : i32
      %mul3A_933 = vector.broadcast %mul3A_932 : i32 to vector<16xi32>
      %mul3A_934 = arith.muli %gather3A_931, %mul3A_933 : vector<16xi32>
      %add3A_935 = arith.addi %mul3A_934, %and3A_8 : vector<16xi32>
      %mul3A_936 = arith.constant 128 : i32
      %mul3A_937 = arith.muli %scan3A_795, %mul3A_936 : i32
      %add3A_938 = arith.constant 112 : i32
      %add3A_939 = arith.addi %mul3A_937, %add3A_938 : i32
      %swap3A_940 = arith.index_cast %add3A_939 : i32 to index
      %swap3A_941 = tpu.vector_load %arg8[%swap3A_940] {strides = array<i32>} : memref<8192xi32, #tpu.memory_space<vmem>>, vector<16xi32>,
      %swap3A_942 = vector.shape_cast %swap3A_941 : vector<16xi32> to vector<16xi32>
      %swap3A_943 = vector.shape_cast %add3A_935 : vector<16xi32> to vector<16xi32>
      tpu.vector_store %arg8[%swap3A_940], %swap3A_943 {strides = array<i32>} : memref<8192xi32, #tpu.memory_space<vmem>>, vector<16xi32>,
      %scan3A_944 = arith.constant 0 : i32
      scf.yield %scan3A_944 : i32
    }
    %scan3A_14 = arith.constant 64 : i32
    %dma_start3A = arith.constant 0 : i32
    %dma_start3A_15 = tpu.memref_slice %arg9[%dma_start3A] : memref<8192xf32, #tpu.memory_space<vmem>> -> memref<128xf32, #tpu.memory_space<vmem>>
    %dma_start3A_16 = arith.constant 0 : i32
    %dma_start3A_17 = tpu.memref_slice %arg8[%dma_start3A_16] : memref<8192xi32, #tpu.memory_space<vmem>> -> memref<128xi32, #tpu.memory_space<vmem>>
    %dma_start3A_18 = arith.constant 0 : i32
    %dma_start3A_19 = tpu.memref_slice %arg2[%dma_start3A_18] : memref<65536xf32, #tpu.memory_space<hbm>> -> memref<65536xf32, #tpu.memory_space<hbm>>
    tpu.enqueue_indirect_dma source(%dma_start3A_19 : memref<65536xf32, #tpu.memory_space<hbm>>) target(%dma_start3A_15 : memref<128xf32, #tpu.memory_space<vmem>>) offsets(%dma_start3A_17 : memref<128xi32, #tpu.memory_space<vmem>>) semaphore(%arg12 : memref<!tpu.dma_semaphore, #tpu.memory_space<semaphore_mem>>)
    %dma_start3A_20 = arith.constant 128 : i32
    %dma_start3A_21 = tpu.memref_slice %arg9[%dma_start3A_20] : memref<8192xf32, #tpu.memory_space<vmem>> -> memref<128xf32, #tpu.memory_space<vmem>>
    %dma_start3A_22 = arith.constant 128 : i32
    %dma_start3A_23 = tpu.memref_slice %arg8[%dma_start3A_22] : memref<8192xi32, #tpu.memory_space<vmem>> -> memref<128xi32, #tpu.memory_space<vmem>>
    %dma_start3A_24 = arith.constant 0 : i32
    %dma_start3A_25 = tpu.memref_slice %arg2[%dma_start3A_24] : memref<65536xf32, #tpu.memory_space<hbm>> -> memref<65536xf32, #tpu.memory_space<hbm>>
    tpu.enqueue_indirect_dma source(%dma_start3A_25 : memref<65536xf32, #tpu.memory_space<hbm>>) target(%dma_start3A_21 : memref<128xf32, #tpu.memory_space<vmem>>) offsets(%dma_start3A_23 : memref<128xi32, #tpu.memory_space<vmem>>) semaphore(%arg12 : memref<!tpu.dma_semaphore, #tpu.memory_space<semaphore_mem>>)
    %dma_start3A_26 = arith.constant 256 : i32
    %dma_start3A_27 = tpu.memref_slice %arg9[%dma_start3A_26] : memref<8192xf32, #tpu.memory_space<vmem>> -> memref<128xf32, #tpu.memory_space<vmem>>
    %dma_start3A_28 = arith.constant 256 : i32
    %dma_start3A_29 = tpu.memref_slice %arg8[%dma_start3A_28] : memref<8192xi32, #tpu.memory_space<vmem>> -> memref<128xi32, #tpu.memory_space<vmem>>
    %dma_start3A_30 = arith.constant 0 : i32
    %dma_start3A_31 = tpu.memref_slice %arg2[%dma_start3A_30] : memref<65536xf32, #tpu.memory_space<hbm>> -> memref<65536xf32, #tpu.memory_space<hbm>>
    tpu.enqueue_indirect_dma source(%dma_start3A_31 : memref<65536xf32, #tpu.memory_space<hbm>>) target(%dma_start3A_27 : memref<128xf32, #tpu.memory_space<vmem>>) offsets(%dma_start3A_29 : memref<128xi32, #tpu.memory_space<vmem>>) semaphore(%arg12 : memref<!tpu.dma_semaphore, #tpu.memory_space<semaphore_mem>>)
    %dma_start3A_32 = arith.constant 384 : i32
    %dma_start3A_33 = tpu.memref_slice %arg9[%dma_start3A_32] : memref<8192xf32, #tpu.memory_space<vmem>> -> memref<128xf32, #tpu.memory_space<vmem>>
    %dma_start3A_34 = arith.constant 384 : i32
    %dma_start3A_35 = tpu.memref_slice %arg8[%dma_start3A_34] : memref<8192xi32, #tpu.memory_space<vmem>> -> memref<128xi32, #tpu.memory_space<vmem>>
    %dma_start3A_36 = arith.constant 0 : i32
    %dma_start3A_37 = tpu.memref_slice %arg2[%dma_start3A_36] : memref<65536xf32, #tpu.memory_space<hbm>> -> memref<65536xf32, #tpu.memory_space<hbm>>
    tpu.enqueue_indirect_dma source(%dma_start3A_37 : memref<65536xf32, #tpu.memory_space<hbm>>) target(%dma_start3A_33 : memref<128xf32, #tpu.memory_space<vmem>>) offsets(%dma_start3A_35 : memref<128xi32, #tpu.memory_space<vmem>>) semaphore(%arg12 : memref<!tpu.dma_semaphore, #tpu.memory_space<semaphore_mem>>)
    %dma_start3A_38 = arith.constant 512 : i32
    %dma_start3A_39 = tpu.memref_slice %arg9[%dma_start3A_38] : memref<8192xf32, #tpu.memory_space<vmem>> -> memref<128xf32, #tpu.memory_space<vmem>>
    %dma_start3A_40 = arith.constant 512 : i32
    %dma_start3A_41 = tpu.memref_slice %arg8[%dma_start3A_40] : memref<8192xi32, #tpu.memory_space<vmem>> -> memref<128xi32, #tpu.memory_space<vmem>>
    %dma_start3A_42 = arith.constant 0 : i32
    %dma_start3A_43 = tpu.memref_slice %arg2[%dma_start3A_42] : memref<65536xf32, #tpu.memory_space<hbm>> -> memref<65536xf32, #tpu.memory_space<hbm>>
    tpu.enqueue_indirect_dma source(%dma_start3A_43 : memref<65536xf32, #tpu.memory_space<hbm>>) target(%dma_start3A_39 : memref<128xf32, #tpu.memory_space<vmem>>) offsets(%dma_start3A_41 : memref<128xi32, #tpu.memory_space<vmem>>) semaphore(%arg12 : memref<!tpu.dma_semaphore, #tpu.memory_space<semaphore_mem>>)
    %dma_start3A_44 = arith.constant 640 : i32
    %dma_start3A_45 = tpu.memref_slice %arg9[%dma_start3A_44] : memref<8192xf32, #tpu.memory_space<vmem>> -> memref<128xf32, #tpu.memory_space<vmem>>
    %dma_start3A_46 = arith.constant 640 : i32
    %dma_start3A_47 = tpu.memref_slice %arg8[%dma_start3A_46] : memref<8192xi32, #tpu.memory_space<vmem>> -> memref<128xi32, #tpu.memory_space<vmem>>
    %dma_start3A_48 = arith.constant 0 : i32
    %dma_start3A_49 = tpu.memref_slice %arg2[%dma_start3A_48] : memref<65536xf32, #tpu.memory_space<hbm>> -> memref<65536xf32, #tpu.memory_space<hbm>>
    tpu.enqueue_indirect_dma source(%dma_start3A_49 : memref<65536xf32, #tpu.memory_space<hbm>>) target(%dma_start3A_45 : memref<128xf32, #tpu.memory_space<vmem>>) offsets(%dma_start3A_47 : memref<128xi32, #tpu.memory_space<vmem>>) semaphore(%arg12 : memref<!tpu.dma_semaphore, #tpu.memory_space<semaphore_mem>>)
    %dma_start3A_50 = arith.constant 768 : i32
    %dma_start3A_51 = tpu.memref_slice %arg9[%dma_start3A_50] : memref<8192xf32, #tpu.memory_space<vmem>> -> memref<128xf32, #tpu.memory_space<vmem>>
    %dma_start3A_52 = arith.constant 768 : i32
    %dma_start3A_53 = tpu.memref_slice %arg8[%dma_start3A_52] : memref<8192xi32, #tpu.memory_space<vmem>> -> memref<128xi32, #tpu.memory_space<vmem>>
    %dma_start3A_54 = arith.constant 0 : i32
    %dma_start3A_55 = tpu.memref_slice %arg2[%dma_start3A_54] : memref<65536xf32, #tpu.memory_space<hbm>> -> memref<65536xf32, #tpu.memory_space<hbm>>
    tpu.enqueue_indirect_dma source(%dma_start3A_55 : memref<65536xf32, #tpu.memory_space<hbm>>) target(%dma_start3A_51 : memref<128xf32, #tpu.memory_space<vmem>>) offsets(%dma_start3A_53 : memref<128xi32, #tpu.memory_space<vmem>>) semaphore(%arg12 : memref<!tpu.dma_semaphore, #tpu.memory_space<semaphore_mem>>)
    %dma_start3A_56 = arith.constant 896 : i32
    %dma_start3A_57 = tpu.memref_slice %arg9[%dma_start3A_56] : memref<8192xf32, #tpu.memory_space<vmem>> -> memref<128xf32, #tpu.memory_space<vmem>>
    %dma_start3A_58 = arith.constant 896 : i32
    %dma_start3A_59 = tpu.memref_slice %arg8[%dma_start3A_58] : memref<8192xi32, #tpu.memory_space<vmem>> -> memref<128xi32, #tpu.memory_space<vmem>>
    %dma_start3A_60 = arith.constant 0 : i32
    %dma_start3A_61 = tpu.memref_slice %arg2[%dma_start3A_60] : memref<65536xf32, #tpu.memory_space<hbm>> -> memref<65536xf32, #tpu.memory_space<hbm>>
    tpu.enqueue_indirect_dma source(%dma_start3A_61 : memref<65536xf32, #tpu.memory_space<hbm>>) target(%dma_start3A_57 : memref<128xf32, #tpu.memory_space<vmem>>) offsets(%dma_start3A_59 : memref<128xi32, #tpu.memory_space<vmem>>) semaphore(%arg12 : memref<!tpu.dma_semaphore, #tpu.memory_space<semaphore_mem>>)
    %dma_start3A_62 = arith.constant 1024 : i32
    %dma_start3A_63 = tpu.memref_slice %arg9[%dma_start3A_62] : memref<8192xf32, #tpu.memory_space<vmem>> -> memref<128xf32, #tpu.memory_space<vmem>>
    %dma_start3A_64 = arith.constant 1024 : i32
    %dma_start3A_65 = tpu.memref_slice %arg8[%dma_start3A_64] : memref<8192xi32, #tpu.memory_space<vmem>> -> memref<128xi32, #tpu.memory_space<vmem>>
    %dma_start3A_66 = arith.constant 0 : i32
    %dma_start3A_67 = tpu.memref_slice %arg2[%dma_start3A_66] : memref<65536xf32, #tpu.memory_space<hbm>> -> memref<65536xf32, #tpu.memory_space<hbm>>
    tpu.enqueue_indirect_dma source(%dma_start3A_67 : memref<65536xf32, #tpu.memory_space<hbm>>) target(%dma_start3A_63 : memref<128xf32, #tpu.memory_space<vmem>>) offsets(%dma_start3A_65 : memref<128xi32, #tpu.memory_space<vmem>>) semaphore(%arg12 : memref<!tpu.dma_semaphore, #tpu.memory_space<semaphore_mem>>)
    %dma_start3A_68 = arith.constant 1152 : i32
    %dma_start3A_69 = tpu.memref_slice %arg9[%dma_start3A_68] : memref<8192xf32, #tpu.memory_space<vmem>> -> memref<128xf32, #tpu.memory_space<vmem>>
    %dma_start3A_70 = arith.constant 1152 : i32
    %dma_start3A_71 = tpu.memref_slice %arg8[%dma_start3A_70] : memref<8192xi32, #tpu.memory_space<vmem>> -> memref<128xi32, #tpu.memory_space<vmem>>
    %dma_start3A_72 = arith.constant 0 : i32
    %dma_start3A_73 = tpu.memref_slice %arg2[%dma_start3A_72] : memref<65536xf32, #tpu.memory_space<hbm>> -> memref<65536xf32, #tpu.memory_space<hbm>>
    tpu.enqueue_indirect_dma source(%dma_start3A_73 : memref<65536xf32, #tpu.memory_space<hbm>>) target(%dma_start3A_69 : memref<128xf32, #tpu.memory_space<vmem>>) offsets(%dma_start3A_71 : memref<128xi32, #tpu.memory_space<vmem>>) semaphore(%arg12 : memref<!tpu.dma_semaphore, #tpu.memory_space<semaphore_mem>>)
    %dma_start3A_74 = arith.constant 1280 : i32
    %dma_start3A_75 = tpu.memref_slice %arg9[%dma_start3A_74] : memref<8192xf32, #tpu.memory_space<vmem>> -> memref<128xf32, #tpu.memory_space<vmem>>
    %dma_start3A_76 = arith.constant 1280 : i32
    %dma_start3A_77 = tpu.memref_slice %arg8[%dma_start3A_76] : memref<8192xi32, #tpu.memory_space<vmem>> -> memref<128xi32, #tpu.memory_space<vmem>>
    %dma_start3A_78 = arith.constant 0 : i32
    %dma_start3A_79 = tpu.memref_slice %arg2[%dma_start3A_78] : memref<65536xf32, #tpu.memory_space<hbm>> -> memref<65536xf32, #tpu.memory_space<hbm>>
    tpu.enqueue_indirect_dma source(%dma_start3A_79 : memref<65536xf32, #tpu.memory_space<hbm>>) target(%dma_start3A_75 : memref<128xf32, #tpu.memory_space<vmem>>) offsets(%dma_start3A_77 : memref<128xi32, #tpu.memory_space<vmem>>) semaphore(%arg12 : memref<!tpu.dma_semaphore, #tpu.memory_space<semaphore_mem>>)
    %dma_start3A_80 = arith.constant 1408 : i32
    %dma_start3A_81 = tpu.memref_slice %arg9[%dma_start3A_80] : memref<8192xf32, #tpu.memory_space<vmem>> -> memref<128xf32, #tpu.memory_space<vmem>>
    %dma_start3A_82 = arith.constant 1408 : i32
    %dma_start3A_83 = tpu.memref_slice %arg8[%dma_start3A_82] : memref<8192xi32, #tpu.memory_space<vmem>> -> memref<128xi32, #tpu.memory_space<vmem>>
    %dma_start3A_84 = arith.constant 0 : i32
    %dma_start3A_85 = tpu.memref_slice %arg2[%dma_start3A_84] : memref<65536xf32, #tpu.memory_space<hbm>> -> memref<65536xf32, #tpu.memory_space<hbm>>
    tpu.enqueue_indirect_dma source(%dma_start3A_85 : memref<65536xf32, #tpu.memory_space<hbm>>) target(%dma_start3A_81 : memref<128xf32, #tpu.memory_space<vmem>>) offsets(%dma_start3A_83 : memref<128xi32, #tpu.memory_space<vmem>>) semaphore(%arg12 : memref<!tpu.dma_semaphore, #tpu.memory_space<semaphore_mem>>)
    %dma_start3A_86 = arith.constant 1536 : i32
    %dma_start3A_87 = tpu.memref_slice %arg9[%dma_start3A_86] : memref<8192xf32, #tpu.memory_space<vmem>> -> memref<128xf32, #tpu.memory_space<vmem>>
    %dma_start3A_88 = arith.constant 1536 : i32
    %dma_start3A_89 = tpu.memref_slice %arg8[%dma_start3A_88] : memref<8192xi32, #tpu.memory_space<vmem>> -> memref<128xi32, #tpu.memory_space<vmem>>
    %dma_start3A_90 = arith.constant 0 : i32
    %dma_start3A_91 = tpu.memref_slice %arg2[%dma_start3A_90] : memref<65536xf32, #tpu.memory_space<hbm>> -> memref<65536xf32, #tpu.memory_space<hbm>>
    tpu.enqueue_indirect_dma source(%dma_start3A_91 : memref<65536xf32, #tpu.memory_space<hbm>>) target(%dma_start3A_87 : memref<128xf32, #tpu.memory_space<vmem>>) offsets(%dma_start3A_89 : memref<128xi32, #tpu.memory_space<vmem>>) semaphore(%arg12 : memref<!tpu.dma_semaphore, #tpu.memory_space<semaphore_mem>>)
    %dma_start3A_92 = arith.constant 1664 : i32
    %dma_start3A_93 = tpu.memref_slice %arg9[%dma_start3A_92] : memref<8192xf32, #tpu.memory_space<vmem>> -> memref<128xf32, #tpu.memory_space<vmem>>
    %dma_start3A_94 = arith.constant 1664 : i32
    %dma_start3A_95 = tpu.memref_slice %arg8[%dma_start3A_94] : memref<8192xi32, #tpu.memory_space<vmem>> -> memref<128xi32, #tpu.memory_space<vmem>>
    %dma_start3A_96 = arith.constant 0 : i32
    %dma_start3A_97 = tpu.memref_slice %arg2[%dma_start3A_96] : memref<65536xf32, #tpu.memory_space<hbm>> -> memref<65536xf32, #tpu.memory_space<hbm>>
    tpu.enqueue_indirect_dma source(%dma_start3A_97 : memref<65536xf32, #tpu.memory_space<hbm>>) target(%dma_start3A_93 : memref<128xf32, #tpu.memory_space<vmem>>) offsets(%dma_start3A_95 : memref<128xi32, #tpu.memory_space<vmem>>) semaphore(%arg12 : memref<!tpu.dma_semaphore, #tpu.memory_space<semaphore_mem>>)
    %dma_start3A_98 = arith.constant 1792 : i32
    %dma_start3A_99 = tpu.memref_slice %arg9[%dma_start3A_98] : memref<8192xf32, #tpu.memory_space<vmem>> -> memref<128xf32, #tpu.memory_space<vmem>>
    %dma_start3A_100 = arith.constant 1792 : i32
    %dma_start3A_101 = tpu.memref_slice %arg8[%dma_start3A_100] : memref<8192xi32, #tpu.memory_space<vmem>> -> memref<128xi32, #tpu.memory_space<vmem>>
    %dma_start3A_102 = arith.constant 0 : i32
    %dma_start3A_103 = tpu.memref_slice %arg2[%dma_start3A_102] : memref<65536xf32, #tpu.memory_space<hbm>> -> memref<65536xf32, #tpu.memory_space<hbm>>
    tpu.enqueue_indirect_dma source(%dma_start3A_103 : memref<65536xf32, #tpu.memory_space<hbm>>) target(%dma_start3A_99 : memref<128xf32, #tpu.memory_space<vmem>>) offsets(%dma_start3A_101 : memref<128xi32, #tpu.memory_space<vmem>>) semaphore(%arg12 : memref<!tpu.dma_semaphore, #tpu.memory_space<semaphore_mem>>)
    %dma_start3A_104 = arith.constant 1920 : i32
    %dma_start3A_105 = tpu.memref_slice %arg9[%dma_start3A_104] : memref<8192xf32, #tpu.memory_space<vmem>> -> memref<128xf32, #tpu.memory_space<vmem>>
    %dma_start3A_106 = arith.constant 1920 : i32
    %dma_start3A_107 = tpu.memref_slice %arg8[%dma_start3A_106] : memref<8192xi32, #tpu.memory_space<vmem>> -> memref<128xi32, #tpu.memory_space<vmem>>
    %dma_start3A_108 = arith.constant 0 : i32
    %dma_start3A_109 = tpu.memref_slice %arg2[%dma_start3A_108] : memref<65536xf32, #tpu.memory_space<hbm>> -> memref<65536xf32, #tpu.memory_space<hbm>>
    tpu.enqueue_indirect_dma source(%dma_start3A_109 : memref<65536xf32, #tpu.memory_space<hbm>>) target(%dma_start3A_105 : memref<128xf32, #tpu.memory_space<vmem>>) offsets(%dma_start3A_107 : memref<128xi32, #tpu.memory_space<vmem>>) semaphore(%arg12 : memref<!tpu.dma_semaphore, #tpu.memory_space<semaphore_mem>>)
    %dma_start3A_110 = arith.constant 2048 : i32
    %dma_start3A_111 = tpu.memref_slice %arg9[%dma_start3A_110] : memref<8192xf32, #tpu.memory_space<vmem>> -> memref<128xf32, #tpu.memory_space<vmem>>
    %dma_start3A_112 = arith.constant 2048 : i32
    %dma_start3A_113 = tpu.memref_slice %arg8[%dma_start3A_112] : memref<8192xi32, #tpu.memory_space<vmem>> -> memref<128xi32, #tpu.memory_space<vmem>>
    %dma_start3A_114 = arith.constant 0 : i32
    %dma_start3A_115 = tpu.memref_slice %arg2[%dma_start3A_114] : memref<65536xf32, #tpu.memory_space<hbm>> -> memref<65536xf32, #tpu.memory_space<hbm>>
    tpu.enqueue_indirect_dma source(%dma_start3A_115 : memref<65536xf32, #tpu.memory_space<hbm>>) target(%dma_start3A_111 : memref<128xf32, #tpu.memory_space<vmem>>) offsets(%dma_start3A_113 : memref<128xi32, #tpu.memory_space<vmem>>) semaphore(%arg12 : memref<!tpu.dma_semaphore, #tpu.memory_space<semaphore_mem>>)
    %dma_start3A_116 = arith.constant 2176 : i32
    %dma_start3A_117 = tpu.memref_slice %arg9[%dma_start3A_116] : memref<8192xf32, #tpu.memory_space<vmem>> -> memref<128xf32, #tpu.memory_space<vmem>>
    %dma_start3A_118 = arith.constant 2176 : i32
    %dma_start3A_119 = tpu.memref_slice %arg8[%dma_start3A_118] : memref<8192xi32, #tpu.memory_space<vmem>> -> memref<128xi32, #tpu.memory_space<vmem>>
    %dma_start3A_120 = arith.constant 0 : i32
    %dma_start3A_121 = tpu.memref_slice %arg2[%dma_start3A_120] : memref<65536xf32, #tpu.memory_space<hbm>> -> memref<65536xf32, #tpu.memory_space<hbm>>
    tpu.enqueue_indirect_dma source(%dma_start3A_121 : memref<65536xf32, #tpu.memory_space<hbm>>) target(%dma_start3A_117 : memref<128xf32, #tpu.memory_space<vmem>>) offsets(%dma_start3A_119 : memref<128xi32, #tpu.memory_space<vmem>>) semaphore(%arg12 : memref<!tpu.dma_semaphore, #tpu.memory_space<semaphore_mem>>)
    %dma_start3A_122 = arith.constant 2304 : i32
    %dma_start3A_123 = tpu.memref_slice %arg9[%dma_start3A_122] : memref<8192xf32, #tpu.memory_space<vmem>> -> memref<128xf32, #tpu.memory_space<vmem>>
    %dma_start3A_124 = arith.constant 2304 : i32
    %dma_start3A_125 = tpu.memref_slice %arg8[%dma_start3A_124] : memref<8192xi32, #tpu.memory_space<vmem>> -> memref<128xi32, #tpu.memory_space<vmem>>
    %dma_start3A_126 = arith.constant 0 : i32
    %dma_start3A_127 = tpu.memref_slice %arg2[%dma_start3A_126] : memref<65536xf32, #tpu.memory_space<hbm>> -> memref<65536xf32, #tpu.memory_space<hbm>>
    tpu.enqueue_indirect_dma source(%dma_start3A_127 : memref<65536xf32, #tpu.memory_space<hbm>>) target(%dma_start3A_123 : memref<128xf32, #tpu.memory_space<vmem>>) offsets(%dma_start3A_125 : memref<128xi32, #tpu.memory_space<vmem>>) semaphore(%arg12 : memref<!tpu.dma_semaphore, #tpu.memory_space<semaphore_mem>>)
    %dma_start3A_128 = arith.constant 2432 : i32
    %dma_start3A_129 = tpu.memref_slice %arg9[%dma_start3A_128] : memref<8192xf32, #tpu.memory_space<vmem>> -> memref<128xf32, #tpu.memory_space<vmem>>
    %dma_start3A_130 = arith.constant 2432 : i32
    %dma_start3A_131 = tpu.memref_slice %arg8[%dma_start3A_130] : memref<8192xi32, #tpu.memory_space<vmem>> -> memref<128xi32, #tpu.memory_space<vmem>>
    %dma_start3A_132 = arith.constant 0 : i32
    %dma_start3A_133 = tpu.memref_slice %arg2[%dma_start3A_132] : memref<65536xf32, #tpu.memory_space<hbm>> -> memref<65536xf32, #tpu.memory_space<hbm>>
    tpu.enqueue_indirect_dma source(%dma_start3A_133 : memref<65536xf32, #tpu.memory_space<hbm>>) target(%dma_start3A_129 : memref<128xf32, #tpu.memory_space<vmem>>) offsets(%dma_start3A_131 : memref<128xi32, #tpu.memory_space<vmem>>) semaphore(%arg12 : memref<!tpu.dma_semaphore, #tpu.memory_space<semaphore_mem>>)
    %dma_start3A_134 = arith.constant 2560 : i32
    %dma_start3A_135 = tpu.memref_slice %arg9[%dma_start3A_134] : memref<8192xf32, #tpu.memory_space<vmem>> -> memref<128xf32, #tpu.memory_space<vmem>>
    %dma_start3A_136 = arith.constant 2560 : i32
    %dma_start3A_137 = tpu.memref_slice %arg8[%dma_start3A_136] : memref<8192xi32, #tpu.memory_space<vmem>> -> memref<128xi32, #tpu.memory_space<vmem>>
    %dma_start3A_138 = arith.constant 0 : i32
    %dma_start3A_139 = tpu.memref_slice %arg2[%dma_start3A_138] : memref<65536xf32, #tpu.memory_space<hbm>> -> memref<65536xf32, #tpu.memory_space<hbm>>
    tpu.enqueue_indirect_dma source(%dma_start3A_139 : memref<65536xf32, #tpu.memory_space<hbm>>) target(%dma_start3A_135 : memref<128xf32, #tpu.memory_space<vmem>>) offsets(%dma_start3A_137 : memref<128xi32, #tpu.memory_space<vmem>>) semaphore(%arg12 : memref<!tpu.dma_semaphore, #tpu.memory_space<semaphore_mem>>)
    %dma_start3A_140 = arith.constant 2688 : i32
    %dma_start3A_141 = tpu.memref_slice %arg9[%dma_start3A_140] : memref<8192xf32, #tpu.memory_space<vmem>> -> memref<128xf32, #tpu.memory_space<vmem>>
    %dma_start3A_142 = arith.constant 2688 : i32
    %dma_start3A_143 = tpu.memref_slice %arg8[%dma_start3A_142] : memref<8192xi32, #tpu.memory_space<vmem>> -> memref<128xi32, #tpu.memory_space<vmem>>
    %dma_start3A_144 = arith.constant 0 : i32
    %dma_start3A_145 = tpu.memref_slice %arg2[%dma_start3A_144] : memref<65536xf32, #tpu.memory_space<hbm>> -> memref<65536xf32, #tpu.memory_space<hbm>>
    tpu.enqueue_indirect_dma source(%dma_start3A_145 : memref<65536xf32, #tpu.memory_space<hbm>>) target(%dma_start3A_141 : memref<128xf32, #tpu.memory_space<vmem>>) offsets(%dma_start3A_143 : memref<128xi32, #tpu.memory_space<vmem>>) semaphore(%arg12 : memref<!tpu.dma_semaphore, #tpu.memory_space<semaphore_mem>>)
    %dma_start3A_146 = arith.constant 2816 : i32
    %dma_start3A_147 = tpu.memref_slice %arg9[%dma_start3A_146] : memref<8192xf32, #tpu.memory_space<vmem>> -> memref<128xf32, #tpu.memory_space<vmem>>
    %dma_start3A_148 = arith.constant 2816 : i32
    %dma_start3A_149 = tpu.memref_slice %arg8[%dma_start3A_148] : memref<8192xi32, #tpu.memory_space<vmem>> -> memref<128xi32, #tpu.memory_space<vmem>>
    %dma_start3A_150 = arith.constant 0 : i32
    %dma_start3A_151 = tpu.memref_slice %arg2[%dma_start3A_150] : memref<65536xf32, #tpu.memory_space<hbm>> -> memref<65536xf32, #tpu.memory_space<hbm>>
    tpu.enqueue_indirect_dma source(%dma_start3A_151 : memref<65536xf32, #tpu.memory_space<hbm>>) target(%dma_start3A_147 : memref<128xf32, #tpu.memory_space<vmem>>) offsets(%dma_start3A_149 : memref<128xi32, #tpu.memory_space<vmem>>) semaphore(%arg12 : memref<!tpu.dma_semaphore, #tpu.memory_space<semaphore_mem>>)
    %dma_start3A_152 = arith.constant 2944 : i32
    %dma_start3A_153 = tpu.memref_slice %arg9[%dma_start3A_152] : memref<8192xf32, #tpu.memory_space<vmem>> -> memref<128xf32, #tpu.memory_space<vmem>>
    %dma_start3A_154 = arith.constant 2944 : i32
    %dma_start3A_155 = tpu.memref_slice %arg8[%dma_start3A_154] : memref<8192xi32, #tpu.memory_space<vmem>> -> memref<128xi32, #tpu.memory_space<vmem>>
    %dma_start3A_156 = arith.constant 0 : i32
    %dma_start3A_157 = tpu.memref_slice %arg2[%dma_start3A_156] : memref<65536xf32, #tpu.memory_space<hbm>> -> memref<65536xf32, #tpu.memory_space<hbm>>
    tpu.enqueue_indirect_dma source(%dma_start3A_157 : memref<65536xf32, #tpu.memory_space<hbm>>) target(%dma_start3A_153 : memref<128xf32, #tpu.memory_space<vmem>>) offsets(%dma_start3A_155 : memref<128xi32, #tpu.memory_space<vmem>>) semaphore(%arg12 : memref<!tpu.dma_semaphore, #tpu.memory_space<semaphore_mem>>)
    %dma_start3A_158 = arith.constant 3072 : i32
    %dma_start3A_159 = tpu.memref_slice %arg9[%dma_start3A_158] : memref<8192xf32, #tpu.memory_space<vmem>> -> memref<128xf32, #tpu.memory_space<vmem>>
    %dma_start3A_160 = arith.constant 3072 : i32
    %dma_start3A_161 = tpu.memref_slice %arg8[%dma_start3A_160] : memref<8192xi32, #tpu.memory_space<vmem>> -> memref<128xi32, #tpu.memory_space<vmem>>
    %dma_start3A_162 = arith.constant 0 : i32
    %dma_start3A_163 = tpu.memref_slice %arg2[%dma_start3A_162] : memref<65536xf32, #tpu.memory_space<hbm>> -> memref<65536xf32, #tpu.memory_space<hbm>>
    tpu.enqueue_indirect_dma source(%dma_start3A_163 : memref<65536xf32, #tpu.memory_space<hbm>>) target(%dma_start3A_159 : memref<128xf32, #tpu.memory_space<vmem>>) offsets(%dma_start3A_161 : memref<128xi32, #tpu.memory_space<vmem>>) semaphore(%arg12 : memref<!tpu.dma_semaphore, #tpu.memory_space<semaphore_mem>>)
    %dma_start3A_164 = arith.constant 3200 : i32
    %dma_start3A_165 = tpu.memref_slice %arg9[%dma_start3A_164] : memref<8192xf32, #tpu.memory_space<vmem>> -> memref<128xf32, #tpu.memory_space<vmem>>
    %dma_start3A_166 = arith.constant 3200 : i32
    %dma_start3A_167 = tpu.memref_slice %arg8[%dma_start3A_166] : memref<8192xi32, #tpu.memory_space<vmem>> -> memref<128xi32, #tpu.memory_space<vmem>>
    %dma_start3A_168 = arith.constant 0 : i32
    %dma_start3A_169 = tpu.memref_slice %arg2[%dma_start3A_168] : memref<65536xf32, #tpu.memory_space<hbm>> -> memref<65536xf32, #tpu.memory_space<hbm>>
    tpu.enqueue_indirect_dma source(%dma_start3A_169 : memref<65536xf32, #tpu.memory_space<hbm>>) target(%dma_start3A_165 : memref<128xf32, #tpu.memory_space<vmem>>) offsets(%dma_start3A_167 : memref<128xi32, #tpu.memory_space<vmem>>) semaphore(%arg12 : memref<!tpu.dma_semaphore, #tpu.memory_space<semaphore_mem>>)
    %dma_start3A_170 = arith.constant 3328 : i32
    %dma_start3A_171 = tpu.memref_slice %arg9[%dma_start3A_170] : memref<8192xf32, #tpu.memory_space<vmem>> -> memref<128xf32, #tpu.memory_space<vmem>>
    %dma_start3A_172 = arith.constant 3328 : i32
    %dma_start3A_173 = tpu.memref_slice %arg8[%dma_start3A_172] : memref<8192xi32, #tpu.memory_space<vmem>> -> memref<128xi32, #tpu.memory_space<vmem>>
    %dma_start3A_174 = arith.constant 0 : i32
    %dma_start3A_175 = tpu.memref_slice %arg2[%dma_start3A_174] : memref<65536xf32, #tpu.memory_space<hbm>> -> memref<65536xf32, #tpu.memory_space<hbm>>
    tpu.enqueue_indirect_dma source(%dma_start3A_175 : memref<65536xf32, #tpu.memory_space<hbm>>) target(%dma_start3A_171 : memref<128xf32, #tpu.memory_space<vmem>>) offsets(%dma_start3A_173 : memref<128xi32, #tpu.memory_space<vmem>>) semaphore(%arg12 : memref<!tpu.dma_semaphore, #tpu.memory_space<semaphore_mem>>)
    %dma_start3A_176 = arith.constant 3456 : i32
    %dma_start3A_177 = tpu.memref_slice %arg9[%dma_start3A_176] : memref<8192xf32, #tpu.memory_space<vmem>> -> memref<128xf32, #tpu.memory_space<vmem>>
    %dma_start3A_178 = arith.constant 3456 : i32
    %dma_start3A_179 = tpu.memref_slice %arg8[%dma_start3A_178] : memref<8192xi32, #tpu.memory_space<vmem>> -> memref<128xi32, #tpu.memory_space<vmem>>
    %dma_start3A_180 = arith.constant 0 : i32
    %dma_start3A_181 = tpu.memref_slice %arg2[%dma_start3A_180] : memref<65536xf32, #tpu.memory_space<hbm>> -> memref<65536xf32, #tpu.memory_space<hbm>>
    tpu.enqueue_indirect_dma source(%dma_start3A_181 : memref<65536xf32, #tpu.memory_space<hbm>>) target(%dma_start3A_177 : memref<128xf32, #tpu.memory_space<vmem>>) offsets(%dma_start3A_179 : memref<128xi32, #tpu.memory_space<vmem>>) semaphore(%arg12 : memref<!tpu.dma_semaphore, #tpu.memory_space<semaphore_mem>>)
    %dma_start3A_182 = arith.constant 3584 : i32
    %dma_start3A_183 = tpu.memref_slice %arg9[%dma_start3A_182] : memref<8192xf32, #tpu.memory_space<vmem>> -> memref<128xf32, #tpu.memory_space<vmem>>
    %dma_start3A_184 = arith.constant 3584 : i32
    %dma_start3A_185 = tpu.memref_slice %arg8[%dma_start3A_184] : memref<8192xi32, #tpu.memory_space<vmem>> -> memref<128xi32, #tpu.memory_space<vmem>>
    %dma_start3A_186 = arith.constant 0 : i32
    %dma_start3A_187 = tpu.memref_slice %arg2[%dma_start3A_186] : memref<65536xf32, #tpu.memory_space<hbm>> -> memref<65536xf32, #tpu.memory_space<hbm>>
    tpu.enqueue_indirect_dma source(%dma_start3A_187 : memref<65536xf32, #tpu.memory_space<hbm>>) target(%dma_start3A_183 : memref<128xf32, #tpu.memory_space<vmem>>) offsets(%dma_start3A_185 : memref<128xi32, #tpu.memory_space<vmem>>) semaphore(%arg12 : memref<!tpu.dma_semaphore, #tpu.memory_space<semaphore_mem>>)
    %dma_start3A_188 = arith.constant 3712 : i32
    %dma_start3A_189 = tpu.memref_slice %arg9[%dma_start3A_188] : memref<8192xf32, #tpu.memory_space<vmem>> -> memref<128xf32, #tpu.memory_space<vmem>>
    %dma_start3A_190 = arith.constant 3712 : i32
    %dma_start3A_191 = tpu.memref_slice %arg8[%dma_start3A_190] : memref<8192xi32, #tpu.memory_space<vmem>> -> memref<128xi32, #tpu.memory_space<vmem>>
    %dma_start3A_192 = arith.constant 0 : i32
    %dma_start3A_193 = tpu.memref_slice %arg2[%dma_start3A_192] : memref<65536xf32, #tpu.memory_space<hbm>> -> memref<65536xf32, #tpu.memory_space<hbm>>
    tpu.enqueue_indirect_dma source(%dma_start3A_193 : memref<65536xf32, #tpu.memory_space<hbm>>) target(%dma_start3A_189 : memref<128xf32, #tpu.memory_space<vmem>>) offsets(%dma_start3A_191 : memref<128xi32, #tpu.memory_space<vmem>>) semaphore(%arg12 : memref<!tpu.dma_semaphore, #tpu.memory_space<semaphore_mem>>)
    %dma_start3A_194 = arith.constant 3840 : i32
    %dma_start3A_195 = tpu.memref_slice %arg9[%dma_start3A_194] : memref<8192xf32, #tpu.memory_space<vmem>> -> memref<128xf32, #tpu.memory_space<vmem>>
    %dma_start3A_196 = arith.constant 3840 : i32
    %dma_start3A_197 = tpu.memref_slice %arg8[%dma_start3A_196] : memref<8192xi32, #tpu.memory_space<vmem>> -> memref<128xi32, #tpu.memory_space<vmem>>
    %dma_start3A_198 = arith.constant 0 : i32
    %dma_start3A_199 = tpu.memref_slice %arg2[%dma_start3A_198] : memref<65536xf32, #tpu.memory_space<hbm>> -> memref<65536xf32, #tpu.memory_space<hbm>>
    tpu.enqueue_indirect_dma source(%dma_start3A_199 : memref<65536xf32, #tpu.memory_space<hbm>>) target(%dma_start3A_195 : memref<128xf32, #tpu.memory_space<vmem>>) offsets(%dma_start3A_197 : memref<128xi32, #tpu.memory_space<vmem>>) semaphore(%arg12 : memref<!tpu.dma_semaphore, #tpu.memory_space<semaphore_mem>>)
    %dma_start3A_200 = arith.constant 3968 : i32
    %dma_start3A_201 = tpu.memref_slice %arg9[%dma_start3A_200] : memref<8192xf32, #tpu.memory_space<vmem>> -> memref<128xf32, #tpu.memory_space<vmem>>
    %dma_start3A_202 = arith.constant 3968 : i32
    %dma_start3A_203 = tpu.memref_slice %arg8[%dma_start3A_202] : memref<8192xi32, #tpu.memory_space<vmem>> -> memref<128xi32, #tpu.memory_space<vmem>>
    %dma_start3A_204 = arith.constant 0 : i32
    %dma_start3A_205 = tpu.memref_slice %arg2[%dma_start3A_204] : memref<65536xf32, #tpu.memory_space<hbm>> -> memref<65536xf32, #tpu.memory_space<hbm>>
    tpu.enqueue_indirect_dma source(%dma_start3A_205 : memref<65536xf32, #tpu.memory_space<hbm>>) target(%dma_start3A_201 : memref<128xf32, #tpu.memory_space<vmem>>) offsets(%dma_start3A_203 : memref<128xi32, #tpu.memory_space<vmem>>) semaphore(%arg12 : memref<!tpu.dma_semaphore, #tpu.memory_space<semaphore_mem>>)
    %dma_start3A_206 = arith.constant 4096 : i32
    %dma_start3A_207 = tpu.memref_slice %arg9[%dma_start3A_206] : memref<8192xf32, #tpu.memory_space<vmem>> -> memref<128xf32, #tpu.memory_space<vmem>>
    %dma_start3A_208 = arith.constant 4096 : i32
    %dma_start3A_209 = tpu.memref_slice %arg8[%dma_start3A_208] : memref<8192xi32, #tpu.memory_space<vmem>> -> memref<128xi32, #tpu.memory_space<vmem>>
    %dma_start3A_210 = arith.constant 0 : i32
    %dma_start3A_211 = tpu.memref_slice %arg2[%dma_start3A_210] : memref<65536xf32, #tpu.memory_space<hbm>> -> memref<65536xf32, #tpu.memory_space<hbm>>
    tpu.enqueue_indirect_dma source(%dma_start3A_211 : memref<65536xf32, #tpu.memory_space<hbm>>) target(%dma_start3A_207 : memref<128xf32, #tpu.memory_space<vmem>>) offsets(%dma_start3A_209 : memref<128xi32, #tpu.memory_space<vmem>>) semaphore(%arg12 : memref<!tpu.dma_semaphore, #tpu.memory_space<semaphore_mem>>)
    %dma_start3A_212 = arith.constant 4224 : i32
    %dma_start3A_213 = tpu.memref_slice %arg9[%dma_start3A_212] : memref<8192xf32, #tpu.memory_space<vmem>> -> memref<128xf32, #tpu.memory_space<vmem>>
    %dma_start3A_214 = arith.constant 4224 : i32
    %dma_start3A_215 = tpu.memref_slice %arg8[%dma_start3A_214] : memref<8192xi32, #tpu.memory_space<vmem>> -> memref<128xi32, #tpu.memory_space<vmem>>
    %dma_start3A_216 = arith.constant 0 : i32
    %dma_start3A_217 = tpu.memref_slice %arg2[%dma_start3A_216] : memref<65536xf32, #tpu.memory_space<hbm>> -> memref<65536xf32, #tpu.memory_space<hbm>>
    tpu.enqueue_indirect_dma source(%dma_start3A_217 : memref<65536xf32, #tpu.memory_space<hbm>>) target(%dma_start3A_213 : memref<128xf32, #tpu.memory_space<vmem>>) offsets(%dma_start3A_215 : memref<128xi32, #tpu.memory_space<vmem>>) semaphore(%arg12 : memref<!tpu.dma_semaphore, #tpu.memory_space<semaphore_mem>>)
    %dma_start3A_218 = arith.constant 4352 : i32
    %dma_start3A_219 = tpu.memref_slice %arg9[%dma_start3A_218] : memref<8192xf32, #tpu.memory_space<vmem>> -> memref<128xf32, #tpu.memory_space<vmem>>
    %dma_start3A_220 = arith.constant 4352 : i32
    %dma_start3A_221 = tpu.memref_slice %arg8[%dma_start3A_220] : memref<8192xi32, #tpu.memory_space<vmem>> -> memref<128xi32, #tpu.memory_space<vmem>>
    %dma_start3A_222 = arith.constant 0 : i32
    %dma_start3A_223 = tpu.memref_slice %arg2[%dma_start3A_222] : memref<65536xf32, #tpu.memory_space<hbm>> -> memref<65536xf32, #tpu.memory_space<hbm>>
    tpu.enqueue_indirect_dma source(%dma_start3A_223 : memref<65536xf32, #tpu.memory_space<hbm>>) target(%dma_start3A_219 : memref<128xf32, #tpu.memory_space<vmem>>) offsets(%dma_start3A_221 : memref<128xi32, #tpu.memory_space<vmem>>) semaphore(%arg12 : memref<!tpu.dma_semaphore, #tpu.memory_space<semaphore_mem>>)
    %dma_start3A_224 = arith.constant 4480 : i32
    %dma_start3A_225 = tpu.memref_slice %arg9[%dma_start3A_224] : memref<8192xf32, #tpu.memory_space<vmem>> -> memref<128xf32, #tpu.memory_space<vmem>>
    %dma_start3A_226 = arith.constant 4480 : i32
    %dma_start3A_227 = tpu.memref_slice %arg8[%dma_start3A_226] : memref<8192xi32, #tpu.memory_space<vmem>> -> memref<128xi32, #tpu.memory_space<vmem>>
    %dma_start3A_228 = arith.constant 0 : i32
    %dma_start3A_229 = tpu.memref_slice %arg2[%dma_start3A_228] : memref<65536xf32, #tpu.memory_space<hbm>> -> memref<65536xf32, #tpu.memory_space<hbm>>
    tpu.enqueue_indirect_dma source(%dma_start3A_229 : memref<65536xf32, #tpu.memory_space<hbm>>) target(%dma_start3A_225 : memref<128xf32, #tpu.memory_space<vmem>>) offsets(%dma_start3A_227 : memref<128xi32, #tpu.memory_space<vmem>>) semaphore(%arg12 : memref<!tpu.dma_semaphore, #tpu.memory_space<semaphore_mem>>)
    %dma_start3A_230 = arith.constant 4608 : i32
    %dma_start3A_231 = tpu.memref_slice %arg9[%dma_start3A_230] : memref<8192xf32, #tpu.memory_space<vmem>> -> memref<128xf32, #tpu.memory_space<vmem>>
    %dma_start3A_232 = arith.constant 4608 : i32
    %dma_start3A_233 = tpu.memref_slice %arg8[%dma_start3A_232] : memref<8192xi32, #tpu.memory_space<vmem>> -> memref<128xi32, #tpu.memory_space<vmem>>
    %dma_start3A_234 = arith.constant 0 : i32
    %dma_start3A_235 = tpu.memref_slice %arg2[%dma_start3A_234] : memref<65536xf32, #tpu.memory_space<hbm>> -> memref<65536xf32, #tpu.memory_space<hbm>>
    tpu.enqueue_indirect_dma source(%dma_start3A_235 : memref<65536xf32, #tpu.memory_space<hbm>>) target(%dma_start3A_231 : memref<128xf32, #tpu.memory_space<vmem>>) offsets(%dma_start3A_233 : memref<128xi32, #tpu.memory_space<vmem>>) semaphore(%arg12 : memref<!tpu.dma_semaphore, #tpu.memory_space<semaphore_mem>>)
    %dma_start3A_236 = arith.constant 4736 : i32
    %dma_start3A_237 = tpu.memref_slice %arg9[%dma_start3A_236] : memref<8192xf32, #tpu.memory_space<vmem>> -> memref<128xf32, #tpu.memory_space<vmem>>
    %dma_start3A_238 = arith.constant 4736 : i32
    %dma_start3A_239 = tpu.memref_slice %arg8[%dma_start3A_238] : memref<8192xi32, #tpu.memory_space<vmem>> -> memref<128xi32, #tpu.memory_space<vmem>>
    %dma_start3A_240 = arith.constant 0 : i32
    %dma_start3A_241 = tpu.memref_slice %arg2[%dma_start3A_240] : memref<65536xf32, #tpu.memory_space<hbm>> -> memref<65536xf32, #tpu.memory_space<hbm>>
    tpu.enqueue_indirect_dma source(%dma_start3A_241 : memref<65536xf32, #tpu.memory_space<hbm>>) target(%dma_start3A_237 : memref<128xf32, #tpu.memory_space<vmem>>) offsets(%dma_start3A_239 : memref<128xi32, #tpu.memory_space<vmem>>) semaphore(%arg12 : memref<!tpu.dma_semaphore, #tpu.memory_space<semaphore_mem>>)
    %dma_start3A_242 = arith.constant 4864 : i32
    %dma_start3A_243 = tpu.memref_slice %arg9[%dma_start3A_242] : memref<8192xf32, #tpu.memory_space<vmem>> -> memref<128xf32, #tpu.memory_space<vmem>>
    %dma_start3A_244 = arith.constant 4864 : i32
    %dma_start3A_245 = tpu.memref_slice %arg8[%dma_start3A_244] : memref<8192xi32, #tpu.memory_space<vmem>> -> memref<128xi32, #tpu.memory_space<vmem>>
    %dma_start3A_246 = arith.constant 0 : i32
    %dma_start3A_247 = tpu.memref_slice %arg2[%dma_start3A_246] : memref<65536xf32, #tpu.memory_space<hbm>> -> memref<65536xf32, #tpu.memory_space<hbm>>
    tpu.enqueue_indirect_dma source(%dma_start3A_247 : memref<65536xf32, #tpu.memory_space<hbm>>) target(%dma_start3A_243 : memref<128xf32, #tpu.memory_space<vmem>>) offsets(%dma_start3A_245 : memref<128xi32, #tpu.memory_space<vmem>>) semaphore(%arg12 : memref<!tpu.dma_semaphore, #tpu.memory_space<semaphore_mem>>)
    %dma_start3A_248 = arith.constant 4992 : i32
    %dma_start3A_249 = tpu.memref_slice %arg9[%dma_start3A_248] : memref<8192xf32, #tpu.memory_space<vmem>> -> memref<128xf32, #tpu.memory_space<vmem>>
    %dma_start3A_250 = arith.constant 4992 : i32
    %dma_start3A_251 = tpu.memref_slice %arg8[%dma_start3A_250] : memref<8192xi32, #tpu.memory_space<vmem>> -> memref<128xi32, #tpu.memory_space<vmem>>
    %dma_start3A_252 = arith.constant 0 : i32
    %dma_start3A_253 = tpu.memref_slice %arg2[%dma_start3A_252] : memref<65536xf32, #tpu.memory_space<hbm>> -> memref<65536xf32, #tpu.memory_space<hbm>>
    tpu.enqueue_indirect_dma source(%dma_start3A_253 : memref<65536xf32, #tpu.memory_space<hbm>>) target(%dma_start3A_249 : memref<128xf32, #tpu.memory_space<vmem>>) offsets(%dma_start3A_251 : memref<128xi32, #tpu.memory_space<vmem>>) semaphore(%arg12 : memref<!tpu.dma_semaphore, #tpu.memory_space<semaphore_mem>>)
    %dma_start3A_254 = arith.constant 5120 : i32
    %dma_start3A_255 = tpu.memref_slice %arg9[%dma_start3A_254] : memref<8192xf32, #tpu.memory_space<vmem>> -> memref<128xf32, #tpu.memory_space<vmem>>
    %dma_start3A_256 = arith.constant 5120 : i32
    %dma_start3A_257 = tpu.memref_slice %arg8[%dma_start3A_256] : memref<8192xi32, #tpu.memory_space<vmem>> -> memref<128xi32, #tpu.memory_space<vmem>>
    %dma_start3A_258 = arith.constant 0 : i32
    %dma_start3A_259 = tpu.memref_slice %arg2[%dma_start3A_258] : memref<65536xf32, #tpu.memory_space<hbm>> -> memref<65536xf32, #tpu.memory_space<hbm>>
    tpu.enqueue_indirect_dma source(%dma_start3A_259 : memref<65536xf32, #tpu.memory_space<hbm>>) target(%dma_start3A_255 : memref<128xf32, #tpu.memory_space<vmem>>) offsets(%dma_start3A_257 : memref<128xi32, #tpu.memory_space<vmem>>) semaphore(%arg12 : memref<!tpu.dma_semaphore, #tpu.memory_space<semaphore_mem>>)
    %dma_start3A_260 = arith.constant 5248 : i32
    %dma_start3A_261 = tpu.memref_slice %arg9[%dma_start3A_260] : memref<8192xf32, #tpu.memory_space<vmem>> -> memref<128xf32, #tpu.memory_space<vmem>>
    %dma_start3A_262 = arith.constant 5248 : i32
    %dma_start3A_263 = tpu.memref_slice %arg8[%dma_start3A_262] : memref<8192xi32, #tpu.memory_space<vmem>> -> memref<128xi32, #tpu.memory_space<vmem>>
    %dma_start3A_264 = arith.constant 0 : i32
    %dma_start3A_265 = tpu.memref_slice %arg2[%dma_start3A_264] : memref<65536xf32, #tpu.memory_space<hbm>> -> memref<65536xf32, #tpu.memory_space<hbm>>
    tpu.enqueue_indirect_dma source(%dma_start3A_265 : memref<65536xf32, #tpu.memory_space<hbm>>) target(%dma_start3A_261 : memref<128xf32, #tpu.memory_space<vmem>>) offsets(%dma_start3A_263 : memref<128xi32, #tpu.memory_space<vmem>>) semaphore(%arg12 : memref<!tpu.dma_semaphore, #tpu.memory_space<semaphore_mem>>)
    %dma_start3A_266 = arith.constant 5376 : i32
    %dma_start3A_267 = tpu.memref_slice %arg9[%dma_start3A_266] : memref<8192xf32, #tpu.memory_space<vmem>> -> memref<128xf32, #tpu.memory_space<vmem>>
    %dma_start3A_268 = arith.constant 5376 : i32
    %dma_start3A_269 = tpu.memref_slice %arg8[%dma_start3A_268] : memref<8192xi32, #tpu.memory_space<vmem>> -> memref<128xi32, #tpu.memory_space<vmem>>
    %dma_start3A_270 = arith.constant 0 : i32
    %dma_start3A_271 = tpu.memref_slice %arg2[%dma_start3A_270] : memref<65536xf32, #tpu.memory_space<hbm>> -> memref<65536xf32, #tpu.memory_space<hbm>>
    tpu.enqueue_indirect_dma source(%dma_start3A_271 : memref<65536xf32, #tpu.memory_space<hbm>>) target(%dma_start3A_267 : memref<128xf32, #tpu.memory_space<vmem>>) offsets(%dma_start3A_269 : memref<128xi32, #tpu.memory_space<vmem>>) semaphore(%arg12 : memref<!tpu.dma_semaphore, #tpu.memory_space<semaphore_mem>>)
    %dma_start3A_272 = arith.constant 5504 : i32
    %dma_start3A_273 = tpu.memref_slice %arg9[%dma_start3A_272] : memref<8192xf32, #tpu.memory_space<vmem>> -> memref<128xf32, #tpu.memory_space<vmem>>
    %dma_start3A_274 = arith.constant 5504 : i32
    %dma_start3A_275 = tpu.memref_slice %arg8[%dma_start3A_274] : memref<8192xi32, #tpu.memory_space<vmem>> -> memref<128xi32, #tpu.memory_space<vmem>>
    %dma_start3A_276 = arith.constant 0 : i32
    %dma_start3A_277 = tpu.memref_slice %arg2[%dma_start3A_276] : memref<65536xf32, #tpu.memory_space<hbm>> -> memref<65536xf32, #tpu.memory_space<hbm>>
    tpu.enqueue_indirect_dma source(%dma_start3A_277 : memref<65536xf32, #tpu.memory_space<hbm>>) target(%dma_start3A_273 : memref<128xf32, #tpu.memory_space<vmem>>) offsets(%dma_start3A_275 : memref<128xi32, #tpu.memory_space<vmem>>) semaphore(%arg12 : memref<!tpu.dma_semaphore, #tpu.memory_space<semaphore_mem>>)
    %dma_start3A_278 = arith.constant 5632 : i32
    %dma_start3A_279 = tpu.memref_slice %arg9[%dma_start3A_278] : memref<8192xf32, #tpu.memory_space<vmem>> -> memref<128xf32, #tpu.memory_space<vmem>>
    %dma_start3A_280 = arith.constant 5632 : i32
    %dma_start3A_281 = tpu.memref_slice %arg8[%dma_start3A_280] : memref<8192xi32, #tpu.memory_space<vmem>> -> memref<128xi32, #tpu.memory_space<vmem>>
    %dma_start3A_282 = arith.constant 0 : i32
    %dma_start3A_283 = tpu.memref_slice %arg2[%dma_start3A_282] : memref<65536xf32, #tpu.memory_space<hbm>> -> memref<65536xf32, #tpu.memory_space<hbm>>
    tpu.enqueue_indirect_dma source(%dma_start3A_283 : memref<65536xf32, #tpu.memory_space<hbm>>) target(%dma_start3A_279 : memref<128xf32, #tpu.memory_space<vmem>>) offsets(%dma_start3A_281 : memref<128xi32, #tpu.memory_space<vmem>>) semaphore(%arg12 : memref<!tpu.dma_semaphore, #tpu.memory_space<semaphore_mem>>)
    %dma_start3A_284 = arith.constant 5760 : i32
    %dma_start3A_285 = tpu.memref_slice %arg9[%dma_start3A_284] : memref<8192xf32, #tpu.memory_space<vmem>> -> memref<128xf32, #tpu.memory_space<vmem>>
    %dma_start3A_286 = arith.constant 5760 : i32
    %dma_start3A_287 = tpu.memref_slice %arg8[%dma_start3A_286] : memref<8192xi32, #tpu.memory_space<vmem>> -> memref<128xi32, #tpu.memory_space<vmem>>
    %dma_start3A_288 = arith.constant 0 : i32
    %dma_start3A_289 = tpu.memref_slice %arg2[%dma_start3A_288] : memref<65536xf32, #tpu.memory_space<hbm>> -> memref<65536xf32, #tpu.memory_space<hbm>>
    tpu.enqueue_indirect_dma source(%dma_start3A_289 : memref<65536xf32, #tpu.memory_space<hbm>>) target(%dma_start3A_285 : memref<128xf32, #tpu.memory_space<vmem>>) offsets(%dma_start3A_287 : memref<128xi32, #tpu.memory_space<vmem>>) semaphore(%arg12 : memref<!tpu.dma_semaphore, #tpu.memory_space<semaphore_mem>>)
    %dma_start3A_290 = arith.constant 5888 : i32
    %dma_start3A_291 = tpu.memref_slice %arg9[%dma_start3A_290] : memref<8192xf32, #tpu.memory_space<vmem>> -> memref<128xf32, #tpu.memory_space<vmem>>
    %dma_start3A_292 = arith.constant 5888 : i32
    %dma_start3A_293 = tpu.memref_slice %arg8[%dma_start3A_292] : memref<8192xi32, #tpu.memory_space<vmem>> -> memref<128xi32, #tpu.memory_space<vmem>>
    %dma_start3A_294 = arith.constant 0 : i32
    %dma_start3A_295 = tpu.memref_slice %arg2[%dma_start3A_294] : memref<65536xf32, #tpu.memory_space<hbm>> -> memref<65536xf32, #tpu.memory_space<hbm>>
    tpu.enqueue_indirect_dma source(%dma_start3A_295 : memref<65536xf32, #tpu.memory_space<hbm>>) target(%dma_start3A_291 : memref<128xf32, #tpu.memory_space<vmem>>) offsets(%dma_start3A_293 : memref<128xi32, #tpu.memory_space<vmem>>) semaphore(%arg12 : memref<!tpu.dma_semaphore, #tpu.memory_space<semaphore_mem>>)
    %dma_start3A_296 = arith.constant 6016 : i32
    %dma_start3A_297 = tpu.memref_slice %arg9[%dma_start3A_296] : memref<8192xf32, #tpu.memory_space<vmem>> -> memref<128xf32, #tpu.memory_space<vmem>>
    %dma_start3A_298 = arith.constant 6016 : i32
    %dma_start3A_299 = tpu.memref_slice %arg8[%dma_start3A_298] : memref<8192xi32, #tpu.memory_space<vmem>> -> memref<128xi32, #tpu.memory_space<vmem>>
    %dma_start3A_300 = arith.constant 0 : i32
    %dma_start3A_301 = tpu.memref_slice %arg2[%dma_start3A_300] : memref<65536xf32, #tpu.memory_space<hbm>> -> memref<65536xf32, #tpu.memory_space<hbm>>
    tpu.enqueue_indirect_dma source(%dma_start3A_301 : memref<65536xf32, #tpu.memory_space<hbm>>) target(%dma_start3A_297 : memref<128xf32, #tpu.memory_space<vmem>>) offsets(%dma_start3A_299 : memref<128xi32, #tpu.memory_space<vmem>>) semaphore(%arg12 : memref<!tpu.dma_semaphore, #tpu.memory_space<semaphore_mem>>)
    %dma_start3A_302 = arith.constant 6144 : i32
    %dma_start3A_303 = tpu.memref_slice %arg9[%dma_start3A_302] : memref<8192xf32, #tpu.memory_space<vmem>> -> memref<128xf32, #tpu.memory_space<vmem>>
    %dma_start3A_304 = arith.constant 6144 : i32
    %dma_start3A_305 = tpu.memref_slice %arg8[%dma_start3A_304] : memref<8192xi32, #tpu.memory_space<vmem>> -> memref<128xi32, #tpu.memory_space<vmem>>
    %dma_start3A_306 = arith.constant 0 : i32
    %dma_start3A_307 = tpu.memref_slice %arg2[%dma_start3A_306] : memref<65536xf32, #tpu.memory_space<hbm>> -> memref<65536xf32, #tpu.memory_space<hbm>>
    tpu.enqueue_indirect_dma source(%dma_start3A_307 : memref<65536xf32, #tpu.memory_space<hbm>>) target(%dma_start3A_303 : memref<128xf32, #tpu.memory_space<vmem>>) offsets(%dma_start3A_305 : memref<128xi32, #tpu.memory_space<vmem>>) semaphore(%arg12 : memref<!tpu.dma_semaphore, #tpu.memory_space<semaphore_mem>>)
    %dma_start3A_308 = arith.constant 6272 : i32
    %dma_start3A_309 = tpu.memref_slice %arg9[%dma_start3A_308] : memref<8192xf32, #tpu.memory_space<vmem>> -> memref<128xf32, #tpu.memory_space<vmem>>
    %dma_start3A_310 = arith.constant 6272 : i32
    %dma_start3A_311 = tpu.memref_slice %arg8[%dma_start3A_310] : memref<8192xi32, #tpu.memory_space<vmem>> -> memref<128xi32, #tpu.memory_space<vmem>>
    %dma_start3A_312 = arith.constant 0 : i32
    %dma_start3A_313 = tpu.memref_slice %arg2[%dma_start3A_312] : memref<65536xf32, #tpu.memory_space<hbm>> -> memref<65536xf32, #tpu.memory_space<hbm>>
    tpu.enqueue_indirect_dma source(%dma_start3A_313 : memref<65536xf32, #tpu.memory_space<hbm>>) target(%dma_start3A_309 : memref<128xf32, #tpu.memory_space<vmem>>) offsets(%dma_start3A_311 : memref<128xi32, #tpu.memory_space<vmem>>) semaphore(%arg12 : memref<!tpu.dma_semaphore, #tpu.memory_space<semaphore_mem>>)
    %dma_start3A_314 = arith.constant 6400 : i32
    %dma_start3A_315 = tpu.memref_slice %arg9[%dma_start3A_314] : memref<8192xf32, #tpu.memory_space<vmem>> -> memref<128xf32, #tpu.memory_space<vmem>>
    %dma_start3A_316 = arith.constant 6400 : i32
    %dma_start3A_317 = tpu.memref_slice %arg8[%dma_start3A_316] : memref<8192xi32, #tpu.memory_space<vmem>> -> memref<128xi32, #tpu.memory_space<vmem>>
    %dma_start3A_318 = arith.constant 0 : i32
    %dma_start3A_319 = tpu.memref_slice %arg2[%dma_start3A_318] : memref<65536xf32, #tpu.memory_space<hbm>> -> memref<65536xf32, #tpu.memory_space<hbm>>
    tpu.enqueue_indirect_dma source(%dma_start3A_319 : memref<65536xf32, #tpu.memory_space<hbm>>) target(%dma_start3A_315 : memref<128xf32, #tpu.memory_space<vmem>>) offsets(%dma_start3A_317 : memref<128xi32, #tpu.memory_space<vmem>>) semaphore(%arg12 : memref<!tpu.dma_semaphore, #tpu.memory_space<semaphore_mem>>)
    %dma_start3A_320 = arith.constant 6528 : i32
    %dma_start3A_321 = tpu.memref_slice %arg9[%dma_start3A_320] : memref<8192xf32, #tpu.memory_space<vmem>> -> memref<128xf32, #tpu.memory_space<vmem>>
    %dma_start3A_322 = arith.constant 6528 : i32
    %dma_start3A_323 = tpu.memref_slice %arg8[%dma_start3A_322] : memref<8192xi32, #tpu.memory_space<vmem>> -> memref<128xi32, #tpu.memory_space<vmem>>
    %dma_start3A_324 = arith.constant 0 : i32
    %dma_start3A_325 = tpu.memref_slice %arg2[%dma_start3A_324] : memref<65536xf32, #tpu.memory_space<hbm>> -> memref<65536xf32, #tpu.memory_space<hbm>>
    tpu.enqueue_indirect_dma source(%dma_start3A_325 : memref<65536xf32, #tpu.memory_space<hbm>>) target(%dma_start3A_321 : memref<128xf32, #tpu.memory_space<vmem>>) offsets(%dma_start3A_323 : memref<128xi32, #tpu.memory_space<vmem>>) semaphore(%arg12 : memref<!tpu.dma_semaphore, #tpu.memory_space<semaphore_mem>>)
    %dma_start3A_326 = arith.constant 6656 : i32
    %dma_start3A_327 = tpu.memref_slice %arg9[%dma_start3A_326] : memref<8192xf32, #tpu.memory_space<vmem>> -> memref<128xf32, #tpu.memory_space<vmem>>
    %dma_start3A_328 = arith.constant 6656 : i32
    %dma_start3A_329 = tpu.memref_slice %arg8[%dma_start3A_328] : memref<8192xi32, #tpu.memory_space<vmem>> -> memref<128xi32, #tpu.memory_space<vmem>>
    %dma_start3A_330 = arith.constant 0 : i32
    %dma_start3A_331 = tpu.memref_slice %arg2[%dma_start3A_330] : memref<65536xf32, #tpu.memory_space<hbm>> -> memref<65536xf32, #tpu.memory_space<hbm>>
    tpu.enqueue_indirect_dma source(%dma_start3A_331 : memref<65536xf32, #tpu.memory_space<hbm>>) target(%dma_start3A_327 : memref<128xf32, #tpu.memory_space<vmem>>) offsets(%dma_start3A_329 : memref<128xi32, #tpu.memory_space<vmem>>) semaphore(%arg12 : memref<!tpu.dma_semaphore, #tpu.memory_space<semaphore_mem>>)
    %dma_start3A_332 = arith.constant 6784 : i32
    %dma_start3A_333 = tpu.memref_slice %arg9[%dma_start3A_332] : memref<8192xf32, #tpu.memory_space<vmem>> -> memref<128xf32, #tpu.memory_space<vmem>>
    %dma_start3A_334 = arith.constant 6784 : i32
    %dma_start3A_335 = tpu.memref_slice %arg8[%dma_start3A_334] : memref<8192xi32, #tpu.memory_space<vmem>> -> memref<128xi32, #tpu.memory_space<vmem>>
    %dma_start3A_336 = arith.constant 0 : i32
    %dma_start3A_337 = tpu.memref_slice %arg2[%dma_start3A_336] : memref<65536xf32, #tpu.memory_space<hbm>> -> memref<65536xf32, #tpu.memory_space<hbm>>
    tpu.enqueue_indirect_dma source(%dma_start3A_337 : memref<65536xf32, #tpu.memory_space<hbm>>) target(%dma_start3A_333 : memref<128xf32, #tpu.memory_space<vmem>>) offsets(%dma_start3A_335 : memref<128xi32, #tpu.memory_space<vmem>>) semaphore(%arg12 : memref<!tpu.dma_semaphore, #tpu.memory_space<semaphore_mem>>)
    %dma_start3A_338 = arith.constant 6912 : i32
    %dma_start3A_339 = tpu.memref_slice %arg9[%dma_start3A_338] : memref<8192xf32, #tpu.memory_space<vmem>> -> memref<128xf32, #tpu.memory_space<vmem>>
    %dma_start3A_340 = arith.constant 6912 : i32
    %dma_start3A_341 = tpu.memref_slice %arg8[%dma_start3A_340] : memref<8192xi32, #tpu.memory_space<vmem>> -> memref<128xi32, #tpu.memory_space<vmem>>
    %dma_start3A_342 = arith.constant 0 : i32
    %dma_start3A_343 = tpu.memref_slice %arg2[%dma_start3A_342] : memref<65536xf32, #tpu.memory_space<hbm>> -> memref<65536xf32, #tpu.memory_space<hbm>>
    tpu.enqueue_indirect_dma source(%dma_start3A_343 : memref<65536xf32, #tpu.memory_space<hbm>>) target(%dma_start3A_339 : memref<128xf32, #tpu.memory_space<vmem>>) offsets(%dma_start3A_341 : memref<128xi32, #tpu.memory_space<vmem>>) semaphore(%arg12 : memref<!tpu.dma_semaphore, #tpu.memory_space<semaphore_mem>>)
    %dma_start3A_344 = arith.constant 7040 : i32
    %dma_start3A_345 = tpu.memref_slice %arg9[%dma_start3A_344] : memref<8192xf32, #tpu.memory_space<vmem>> -> memref<128xf32, #tpu.memory_space<vmem>>
    %dma_start3A_346 = arith.constant 7040 : i32
    %dma_start3A_347 = tpu.memref_slice %arg8[%dma_start3A_346] : memref<8192xi32, #tpu.memory_space<vmem>> -> memref<128xi32, #tpu.memory_space<vmem>>
    %dma_start3A_348 = arith.constant 0 : i32
    %dma_start3A_349 = tpu.memref_slice %arg2[%dma_start3A_348] : memref<65536xf32, #tpu.memory_space<hbm>> -> memref<65536xf32, #tpu.memory_space<hbm>>
    tpu.enqueue_indirect_dma source(%dma_start3A_349 : memref<65536xf32, #tpu.memory_space<hbm>>) target(%dma_start3A_345 : memref<128xf32, #tpu.memory_space<vmem>>) offsets(%dma_start3A_347 : memref<128xi32, #tpu.memory_space<vmem>>) semaphore(%arg12 : memref<!tpu.dma_semaphore, #tpu.memory_space<semaphore_mem>>)
    %dma_start3A_350 = arith.constant 7168 : i32
    %dma_start3A_351 = tpu.memref_slice %arg9[%dma_start3A_350] : memref<8192xf32, #tpu.memory_space<vmem>> -> memref<128xf32, #tpu.memory_space<vmem>>
    %dma_start3A_352 = arith.constant 7168 : i32
    %dma_start3A_353 = tpu.memref_slice %arg8[%dma_start3A_352] : memref<8192xi32, #tpu.memory_space<vmem>> -> memref<128xi32, #tpu.memory_space<vmem>>
    %dma_start3A_354 = arith.constant 0 : i32
    %dma_start3A_355 = tpu.memref_slice %arg2[%dma_start3A_354] : memref<65536xf32, #tpu.memory_space<hbm>> -> memref<65536xf32, #tpu.memory_space<hbm>>
    tpu.enqueue_indirect_dma source(%dma_start3A_355 : memref<65536xf32, #tpu.memory_space<hbm>>) target(%dma_start3A_351 : memref<128xf32, #tpu.memory_space<vmem>>) offsets(%dma_start3A_353 : memref<128xi32, #tpu.memory_space<vmem>>) semaphore(%arg12 : memref<!tpu.dma_semaphore, #tpu.memory_space<semaphore_mem>>)
    %dma_start3A_356 = arith.constant 7296 : i32
    %dma_start3A_357 = tpu.memref_slice %arg9[%dma_start3A_356] : memref<8192xf32, #tpu.memory_space<vmem>> -> memref<128xf32, #tpu.memory_space<vmem>>
    %dma_start3A_358 = arith.constant 7296 : i32
    %dma_start3A_359 = tpu.memref_slice %arg8[%dma_start3A_358] : memref<8192xi32, #tpu.memory_space<vmem>> -> memref<128xi32, #tpu.memory_space<vmem>>
    %dma_start3A_360 = arith.constant 0 : i32
    %dma_start3A_361 = tpu.memref_slice %arg2[%dma_start3A_360] : memref<65536xf32, #tpu.memory_space<hbm>> -> memref<65536xf32, #tpu.memory_space<hbm>>
    tpu.enqueue_indirect_dma source(%dma_start3A_361 : memref<65536xf32, #tpu.memory_space<hbm>>) target(%dma_start3A_357 : memref<128xf32, #tpu.memory_space<vmem>>) offsets(%dma_start3A_359 : memref<128xi32, #tpu.memory_space<vmem>>) semaphore(%arg12 : memref<!tpu.dma_semaphore, #tpu.memory_space<semaphore_mem>>)
    %dma_start3A_362 = arith.constant 7424 : i32
    %dma_start3A_363 = tpu.memref_slice %arg9[%dma_start3A_362] : memref<8192xf32, #tpu.memory_space<vmem>> -> memref<128xf32, #tpu.memory_space<vmem>>
    %dma_start3A_364 = arith.constant 7424 : i32
    %dma_start3A_365 = tpu.memref_slice %arg8[%dma_start3A_364] : memref<8192xi32, #tpu.memory_space<vmem>> -> memref<128xi32, #tpu.memory_space<vmem>>
    %dma_start3A_366 = arith.constant 0 : i32
    %dma_start3A_367 = tpu.memref_slice %arg2[%dma_start3A_366] : memref<65536xf32, #tpu.memory_space<hbm>> -> memref<65536xf32, #tpu.memory_space<hbm>>
    tpu.enqueue_indirect_dma source(%dma_start3A_367 : memref<65536xf32, #tpu.memory_space<hbm>>) target(%dma_start3A_363 : memref<128xf32, #tpu.memory_space<vmem>>) offsets(%dma_start3A_365 : memref<128xi32, #tpu.memory_space<vmem>>) semaphore(%arg12 : memref<!tpu.dma_semaphore, #tpu.memory_space<semaphore_mem>>)
    %dma_start3A_368 = arith.constant 7552 : i32
    %dma_start3A_369 = tpu.memref_slice %arg9[%dma_start3A_368] : memref<8192xf32, #tpu.memory_space<vmem>> -> memref<128xf32, #tpu.memory_space<vmem>>
    %dma_start3A_370 = arith.constant 7552 : i32
    %dma_start3A_371 = tpu.memref_slice %arg8[%dma_start3A_370] : memref<8192xi32, #tpu.memory_space<vmem>> -> memref<128xi32, #tpu.memory_space<vmem>>
    %dma_start3A_372 = arith.constant 0 : i32
    %dma_start3A_373 = tpu.memref_slice %arg2[%dma_start3A_372] : memref<65536xf32, #tpu.memory_space<hbm>> -> memref<65536xf32, #tpu.memory_space<hbm>>
    tpu.enqueue_indirect_dma source(%dma_start3A_373 : memref<65536xf32, #tpu.memory_space<hbm>>) target(%dma_start3A_369 : memref<128xf32, #tpu.memory_space<vmem>>) offsets(%dma_start3A_371 : memref<128xi32, #tpu.memory_space<vmem>>) semaphore(%arg12 : memref<!tpu.dma_semaphore, #tpu.memory_space<semaphore_mem>>)
    %dma_start3A_374 = arith.constant 7680 : i32
    %dma_start3A_375 = tpu.memref_slice %arg9[%dma_start3A_374] : memref<8192xf32, #tpu.memory_space<vmem>> -> memref<128xf32, #tpu.memory_space<vmem>>
    %dma_start3A_376 = arith.constant 7680 : i32
    %dma_start3A_377 = tpu.memref_slice %arg8[%dma_start3A_376] : memref<8192xi32, #tpu.memory_space<vmem>> -> memref<128xi32, #tpu.memory_space<vmem>>
    %dma_start3A_378 = arith.constant 0 : i32
    %dma_start3A_379 = tpu.memref_slice %arg2[%dma_start3A_378] : memref<65536xf32, #tpu.memory_space<hbm>> -> memref<65536xf32, #tpu.memory_space<hbm>>
    tpu.enqueue_indirect_dma source(%dma_start3A_379 : memref<65536xf32, #tpu.memory_space<hbm>>) target(%dma_start3A_375 : memref<128xf32, #tpu.memory_space<vmem>>) offsets(%dma_start3A_377 : memref<128xi32, #tpu.memory_space<vmem>>) semaphore(%arg12 : memref<!tpu.dma_semaphore, #tpu.memory_space<semaphore_mem>>)
    %dma_start3A_380 = arith.constant 7808 : i32
    %dma_start3A_381 = tpu.memref_slice %arg9[%dma_start3A_380] : memref<8192xf32, #tpu.memory_space<vmem>> -> memref<128xf32, #tpu.memory_space<vmem>>
    %dma_start3A_382 = arith.constant 7808 : i32
    %dma_start3A_383 = tpu.memref_slice %arg8[%dma_start3A_382] : memref<8192xi32, #tpu.memory_space<vmem>> -> memref<128xi32, #tpu.memory_space<vmem>>
    %dma_start3A_384 = arith.constant 0 : i32
    %dma_start3A_385 = tpu.memref_slice %arg2[%dma_start3A_384] : memref<65536xf32, #tpu.memory_space<hbm>> -> memref<65536xf32, #tpu.memory_space<hbm>>
    tpu.enqueue_indirect_dma source(%dma_start3A_385 : memref<65536xf32, #tpu.memory_space<hbm>>) target(%dma_start3A_381 : memref<128xf32, #tpu.memory_space<vmem>>) offsets(%dma_start3A_383 : memref<128xi32, #tpu.memory_space<vmem>>) semaphore(%arg12 : memref<!tpu.dma_semaphore, #tpu.memory_space<semaphore_mem>>)
    %dma_start3A_386 = arith.constant 7936 : i32
    %dma_start3A_387 = tpu.memref_slice %arg9[%dma_start3A_386] : memref<8192xf32, #tpu.memory_space<vmem>> -> memref<128xf32, #tpu.memory_space<vmem>>
    %dma_start3A_388 = arith.constant 7936 : i32
    %dma_start3A_389 = tpu.memref_slice %arg8[%dma_start3A_388] : memref<8192xi32, #tpu.memory_space<vmem>> -> memref<128xi32, #tpu.memory_space<vmem>>
    %dma_start3A_390 = arith.constant 0 : i32
    %dma_start3A_391 = tpu.memref_slice %arg2[%dma_start3A_390] : memref<65536xf32, #tpu.memory_space<hbm>> -> memref<65536xf32, #tpu.memory_space<hbm>>
    tpu.enqueue_indirect_dma source(%dma_start3A_391 : memref<65536xf32, #tpu.memory_space<hbm>>) target(%dma_start3A_387 : memref<128xf32, #tpu.memory_space<vmem>>) offsets(%dma_start3A_389 : memref<128xi32, #tpu.memory_space<vmem>>) semaphore(%arg12 : memref<!tpu.dma_semaphore, #tpu.memory_space<semaphore_mem>>)
    %dma_start3A_392 = arith.constant 8064 : i32
    %dma_start3A_393 = tpu.memref_slice %arg9[%dma_start3A_392] : memref<8192xf32, #tpu.memory_space<vmem>> -> memref<128xf32, #tpu.memory_space<vmem>>
    %dma_start3A_394 = arith.constant 8064 : i32
    %dma_start3A_395 = tpu.memref_slice %arg8[%dma_start3A_394] : memref<8192xi32, #tpu.memory_space<vmem>> -> memref<128xi32, #tpu.memory_space<vmem>>
    %dma_start3A_396 = arith.constant 0 : i32
    %dma_start3A_397 = tpu.memref_slice %arg2[%dma_start3A_396] : memref<65536xf32, #tpu.memory_space<hbm>> -> memref<65536xf32, #tpu.memory_space<hbm>>
    tpu.enqueue_indirect_dma source(%dma_start3A_397 : memref<65536xf32, #tpu.memory_space<hbm>>) target(%dma_start3A_393 : memref<128xf32, #tpu.memory_space<vmem>>) offsets(%dma_start3A_395 : memref<128xi32, #tpu.memory_space<vmem>>) semaphore(%arg12 : memref<!tpu.dma_semaphore, #tpu.memory_space<semaphore_mem>>)
    %dma_wait3A = arith.constant 0 : i32
    %dma_wait3A_398 = tpu.memref_slice %arg9[%dma_wait3A] : memref<8192xf32, #tpu.memory_space<vmem>> -> memref<128xf32, #tpu.memory_space<vmem>>
    %dma_wait3A_399 = arith.constant 0 : i32
    %dma_wait3A_400 = tpu.memref_slice %arg8[%dma_wait3A_399] : memref<8192xi32, #tpu.memory_space<vmem>> -> memref<128xi32, #tpu.memory_space<vmem>>
    %dma_wait3A_401 = arith.constant 0 : i32
    %dma_wait3A_402 = tpu.memref_slice %arg2[%dma_wait3A_401] : memref<65536xf32, #tpu.memory_space<hbm>> -> memref<65536xf32, #tpu.memory_space<hbm>>
    tpu.wait_indirect_dma semaphore(%arg12 : memref<!tpu.dma_semaphore, #tpu.memory_space<semaphore_mem>>) src(%dma_wait3A_402 : memref<65536xf32, #tpu.memory_space<hbm>>) dst(%dma_wait3A_398 : memref<128xf32, #tpu.memory_space<vmem>>)
    %dma_wait3A_403 = arith.constant 128 : i32
    %dma_wait3A_404 = tpu.memref_slice %arg9[%dma_wait3A_403] : memref<8192xf32, #tpu.memory_space<vmem>> -> memref<128xf32, #tpu.memory_space<vmem>>
    %dma_wait3A_405 = arith.constant 128 : i32
    %dma_wait3A_406 = tpu.memref_slice %arg8[%dma_wait3A_405] : memref<8192xi32, #tpu.memory_space<vmem>> -> memref<128xi32, #tpu.memory_space<vmem>>
    %dma_wait3A_407 = arith.constant 0 : i32
    %dma_wait3A_408 = tpu.memref_slice %arg2[%dma_wait3A_407] : memref<65536xf32, #tpu.memory_space<hbm>> -> memref<65536xf32, #tpu.memory_space<hbm>>
    tpu.wait_indirect_dma semaphore(%arg12 : memref<!tpu.dma_semaphore, #tpu.memory_space<semaphore_mem>>) src(%dma_wait3A_408 : memref<65536xf32, #tpu.memory_space<hbm>>) dst(%dma_wait3A_404 : memref<128xf32, #tpu.memory_space<vmem>>)
    %dma_wait3A_409 = arith.constant 256 : i32
    %dma_wait3A_410 = tpu.memref_slice %arg9[%dma_wait3A_409] : memref<8192xf32, #tpu.memory_space<vmem>> -> memref<128xf32, #tpu.memory_space<vmem>>
    %dma_wait3A_411 = arith.constant 256 : i32
    %dma_wait3A_412 = tpu.memref_slice %arg8[%dma_wait3A_411] : memref<8192xi32, #tpu.memory_space<vmem>> -> memref<128xi32, #tpu.memory_space<vmem>>
    %dma_wait3A_413 = arith.constant 0 : i32
    %dma_wait3A_414 = tpu.memref_slice %arg2[%dma_wait3A_413] : memref<65536xf32, #tpu.memory_space<hbm>> -> memref<65536xf32, #tpu.memory_space<hbm>>
    tpu.wait_indirect_dma semaphore(%arg12 : memref<!tpu.dma_semaphore, #tpu.memory_space<semaphore_mem>>) src(%dma_wait3A_414 : memref<65536xf32, #tpu.memory_space<hbm>>) dst(%dma_wait3A_410 : memref<128xf32, #tpu.memory_space<vmem>>)
    %dma_wait3A_415 = arith.constant 384 : i32
    %dma_wait3A_416 = tpu.memref_slice %arg9[%dma_wait3A_415] : memref<8192xf32, #tpu.memory_space<vmem>> -> memref<128xf32, #tpu.memory_space<vmem>>
    %dma_wait3A_417 = arith.constant 384 : i32
    %dma_wait3A_418 = tpu.memref_slice %arg8[%dma_wait3A_417] : memref<8192xi32, #tpu.memory_space<vmem>> -> memref<128xi32, #tpu.memory_space<vmem>>
    %dma_wait3A_419 = arith.constant 0 : i32
    %dma_wait3A_420 = tpu.memref_slice %arg2[%dma_wait3A_419] : memref<65536xf32, #tpu.memory_space<hbm>> -> memref<65536xf32, #tpu.memory_space<hbm>>
    tpu.wait_indirect_dma semaphore(%arg12 : memref<!tpu.dma_semaphore, #tpu.memory_space<semaphore_mem>>) src(%dma_wait3A_420 : memref<65536xf32, #tpu.memory_space<hbm>>) dst(%dma_wait3A_416 : memref<128xf32, #tpu.memory_space<vmem>>)
    %dma_wait3A_421 = arith.constant 512 : i32
    %dma_wait3A_422 = tpu.memref_slice %arg9[%dma_wait3A_421] : memref<8192xf32, #tpu.memory_space<vmem>> -> memref<128xf32, #tpu.memory_space<vmem>>
    %dma_wait3A_423 = arith.constant 512 : i32
    %dma_wait3A_424 = tpu.memref_slice %arg8[%dma_wait3A_423] : memref<8192xi32, #tpu.memory_space<vmem>> -> memref<128xi32, #tpu.memory_space<vmem>>
    %dma_wait3A_425 = arith.constant 0 : i32
    %dma_wait3A_426 = tpu.memref_slice %arg2[%dma_wait3A_425] : memref<65536xf32, #tpu.memory_space<hbm>> -> memref<65536xf32, #tpu.memory_space<hbm>>
    tpu.wait_indirect_dma semaphore(%arg12 : memref<!tpu.dma_semaphore, #tpu.memory_space<semaphore_mem>>) src(%dma_wait3A_426 : memref<65536xf32, #tpu.memory_space<hbm>>) dst(%dma_wait3A_422 : memref<128xf32, #tpu.memory_space<vmem>>)
    %dma_wait3A_427 = arith.constant 640 : i32
    %dma_wait3A_428 = tpu.memref_slice %arg9[%dma_wait3A_427] : memref<8192xf32, #tpu.memory_space<vmem>> -> memref<128xf32, #tpu.memory_space<vmem>>
    %dma_wait3A_429 = arith.constant 640 : i32
    %dma_wait3A_430 = tpu.memref_slice %arg8[%dma_wait3A_429] : memref<8192xi32, #tpu.memory_space<vmem>> -> memref<128xi32, #tpu.memory_space<vmem>>
    %dma_wait3A_431 = arith.constant 0 : i32
    %dma_wait3A_432 = tpu.memref_slice %arg2[%dma_wait3A_431] : memref<65536xf32, #tpu.memory_space<hbm>> -> memref<65536xf32, #tpu.memory_space<hbm>>
    tpu.wait_indirect_dma semaphore(%arg12 : memref<!tpu.dma_semaphore, #tpu.memory_space<semaphore_mem>>) src(%dma_wait3A_432 : memref<65536xf32, #tpu.memory_space<hbm>>) dst(%dma_wait3A_428 : memref<128xf32, #tpu.memory_space<vmem>>)
    %dma_wait3A_433 = arith.constant 768 : i32
    %dma_wait3A_434 = tpu.memref_slice %arg9[%dma_wait3A_433] : memref<8192xf32, #tpu.memory_space<vmem>> -> memref<128xf32, #tpu.memory_space<vmem>>
    %dma_wait3A_435 = arith.constant 768 : i32
    %dma_wait3A_436 = tpu.memref_slice %arg8[%dma_wait3A_435] : memref<8192xi32, #tpu.memory_space<vmem>> -> memref<128xi32, #tpu.memory_space<vmem>>
    %dma_wait3A_437 = arith.constant 0 : i32
    %dma_wait3A_438 = tpu.memref_slice %arg2[%dma_wait3A_437] : memref<65536xf32, #tpu.memory_space<hbm>> -> memref<65536xf32, #tpu.memory_space<hbm>>
    tpu.wait_indirect_dma semaphore(%arg12 : memref<!tpu.dma_semaphore, #tpu.memory_space<semaphore_mem>>) src(%dma_wait3A_438 : memref<65536xf32, #tpu.memory_space<hbm>>) dst(%dma_wait3A_434 : memref<128xf32, #tpu.memory_space<vmem>>)
    %dma_wait3A_439 = arith.constant 896 : i32
    %dma_wait3A_440 = tpu.memref_slice %arg9[%dma_wait3A_439] : memref<8192xf32, #tpu.memory_space<vmem>> -> memref<128xf32, #tpu.memory_space<vmem>>
    %dma_wait3A_441 = arith.constant 896 : i32
    %dma_wait3A_442 = tpu.memref_slice %arg8[%dma_wait3A_441] : memref<8192xi32, #tpu.memory_space<vmem>> -> memref<128xi32, #tpu.memory_space<vmem>>
    %dma_wait3A_443 = arith.constant 0 : i32
    %dma_wait3A_444 = tpu.memref_slice %arg2[%dma_wait3A_443] : memref<65536xf32, #tpu.memory_space<hbm>> -> memref<65536xf32, #tpu.memory_space<hbm>>
    tpu.wait_indirect_dma semaphore(%arg12 : memref<!tpu.dma_semaphore, #tpu.memory_space<semaphore_mem>>) src(%dma_wait3A_444 : memref<65536xf32, #tpu.memory_space<hbm>>) dst(%dma_wait3A_440 : memref<128xf32, #tpu.memory_space<vmem>>)
    %dma_wait3A_445 = arith.constant 1024 : i32
    %dma_wait3A_446 = tpu.memref_slice %arg9[%dma_wait3A_445] : memref<8192xf32, #tpu.memory_space<vmem>> -> memref<128xf32, #tpu.memory_space<vmem>>
    %dma_wait3A_447 = arith.constant 1024 : i32
    %dma_wait3A_448 = tpu.memref_slice %arg8[%dma_wait3A_447] : memref<8192xi32, #tpu.memory_space<vmem>> -> memref<128xi32, #tpu.memory_space<vmem>>
    %dma_wait3A_449 = arith.constant 0 : i32
    %dma_wait3A_450 = tpu.memref_slice %arg2[%dma_wait3A_449] : memref<65536xf32, #tpu.memory_space<hbm>> -> memref<65536xf32, #tpu.memory_space<hbm>>
    tpu.wait_indirect_dma semaphore(%arg12 : memref<!tpu.dma_semaphore, #tpu.memory_space<semaphore_mem>>) src(%dma_wait3A_450 : memref<65536xf32, #tpu.memory_space<hbm>>) dst(%dma_wait3A_446 : memref<128xf32, #tpu.memory_space<vmem>>)
    %dma_wait3A_451 = arith.constant 1152 : i32
    %dma_wait3A_452 = tpu.memref_slice %arg9[%dma_wait3A_451] : memref<8192xf32, #tpu.memory_space<vmem>> -> memref<128xf32, #tpu.memory_space<vmem>>
    %dma_wait3A_453 = arith.constant 1152 : i32
    %dma_wait3A_454 = tpu.memref_slice %arg8[%dma_wait3A_453] : memref<8192xi32, #tpu.memory_space<vmem>> -> memref<128xi32, #tpu.memory_space<vmem>>
    %dma_wait3A_455 = arith.constant 0 : i32
    %dma_wait3A_456 = tpu.memref_slice %arg2[%dma_wait3A_455] : memref<65536xf32, #tpu.memory_space<hbm>> -> memref<65536xf32, #tpu.memory_space<hbm>>
    tpu.wait_indirect_dma semaphore(%arg12 : memref<!tpu.dma_semaphore, #tpu.memory_space<semaphore_mem>>) src(%dma_wait3A_456 : memref<65536xf32, #tpu.memory_space<hbm>>) dst(%dma_wait3A_452 : memref<128xf32, #tpu.memory_space<vmem>>)
    %dma_wait3A_457 = arith.constant 1280 : i32
    %dma_wait3A_458 = tpu.memref_slice %arg9[%dma_wait3A_457] : memref<8192xf32, #tpu.memory_space<vmem>> -> memref<128xf32, #tpu.memory_space<vmem>>
    %dma_wait3A_459 = arith.constant 1280 : i32
    %dma_wait3A_460 = tpu.memref_slice %arg8[%dma_wait3A_459] : memref<8192xi32, #tpu.memory_space<vmem>> -> memref<128xi32, #tpu.memory_space<vmem>>
    %dma_wait3A_461 = arith.constant 0 : i32
    %dma_wait3A_462 = tpu.memref_slice %arg2[%dma_wait3A_461] : memref<65536xf32, #tpu.memory_space<hbm>> -> memref<65536xf32, #tpu.memory_space<hbm>>
    tpu.wait_indirect_dma semaphore(%arg12 : memref<!tpu.dma_semaphore, #tpu.memory_space<semaphore_mem>>) src(%dma_wait3A_462 : memref<65536xf32, #tpu.memory_space<hbm>>) dst(%dma_wait3A_458 : memref<128xf32, #tpu.memory_space<vmem>>)
    %dma_wait3A_463 = arith.constant 1408 : i32
    %dma_wait3A_464 = tpu.memref_slice %arg9[%dma_wait3A_463] : memref<8192xf32, #tpu.memory_space<vmem>> -> memref<128xf32, #tpu.memory_space<vmem>>
    %dma_wait3A_465 = arith.constant 1408 : i32
    %dma_wait3A_466 = tpu.memref_slice %arg8[%dma_wait3A_465] : memref<8192xi32, #tpu.memory_space<vmem>> -> memref<128xi32, #tpu.memory_space<vmem>>
    %dma_wait3A_467 = arith.constant 0 : i32
    %dma_wait3A_468 = tpu.memref_slice %arg2[%dma_wait3A_467] : memref<65536xf32, #tpu.memory_space<hbm>> -> memref<65536xf32, #tpu.memory_space<hbm>>
    tpu.wait_indirect_dma semaphore(%arg12 : memref<!tpu.dma_semaphore, #tpu.memory_space<semaphore_mem>>) src(%dma_wait3A_468 : memref<65536xf32, #tpu.memory_space<hbm>>) dst(%dma_wait3A_464 : memref<128xf32, #tpu.memory_space<vmem>>)
    %dma_wait3A_469 = arith.constant 1536 : i32
    %dma_wait3A_470 = tpu.memref_slice %arg9[%dma_wait3A_469] : memref<8192xf32, #tpu.memory_space<vmem>> -> memref<128xf32, #tpu.memory_space<vmem>>
    %dma_wait3A_471 = arith.constant 1536 : i32
    %dma_wait3A_472 = tpu.memref_slice %arg8[%dma_wait3A_471] : memref<8192xi32, #tpu.memory_space<vmem>> -> memref<128xi32, #tpu.memory_space<vmem>>
    %dma_wait3A_473 = arith.constant 0 : i32
    %dma_wait3A_474 = tpu.memref_slice %arg2[%dma_wait3A_473] : memref<65536xf32, #tpu.memory_space<hbm>> -> memref<65536xf32, #tpu.memory_space<hbm>>
    tpu.wait_indirect_dma semaphore(%arg12 : memref<!tpu.dma_semaphore, #tpu.memory_space<semaphore_mem>>) src(%dma_wait3A_474 : memref<65536xf32, #tpu.memory_space<hbm>>) dst(%dma_wait3A_470 : memref<128xf32, #tpu.memory_space<vmem>>)
    %dma_wait3A_475 = arith.constant 1664 : i32
    %dma_wait3A_476 = tpu.memref_slice %arg9[%dma_wait3A_475] : memref<8192xf32, #tpu.memory_space<vmem>> -> memref<128xf32, #tpu.memory_space<vmem>>
    %dma_wait3A_477 = arith.constant 1664 : i32
    %dma_wait3A_478 = tpu.memref_slice %arg8[%dma_wait3A_477] : memref<8192xi32, #tpu.memory_space<vmem>> -> memref<128xi32, #tpu.memory_space<vmem>>
    %dma_wait3A_479 = arith.constant 0 : i32
    %dma_wait3A_480 = tpu.memref_slice %arg2[%dma_wait3A_479] : memref<65536xf32, #tpu.memory_space<hbm>> -> memref<65536xf32, #tpu.memory_space<hbm>>
    tpu.wait_indirect_dma semaphore(%arg12 : memref<!tpu.dma_semaphore, #tpu.memory_space<semaphore_mem>>) src(%dma_wait3A_480 : memref<65536xf32, #tpu.memory_space<hbm>>) dst(%dma_wait3A_476 : memref<128xf32, #tpu.memory_space<vmem>>)
    %dma_wait3A_481 = arith.constant 1792 : i32
    %dma_wait3A_482 = tpu.memref_slice %arg9[%dma_wait3A_481] : memref<8192xf32, #tpu.memory_space<vmem>> -> memref<128xf32, #tpu.memory_space<vmem>>
    %dma_wait3A_483 = arith.constant 1792 : i32
    %dma_wait3A_484 = tpu.memref_slice %arg8[%dma_wait3A_483] : memref<8192xi32, #tpu.memory_space<vmem>> -> memref<128xi32, #tpu.memory_space<vmem>>
    %dma_wait3A_485 = arith.constant 0 : i32
    %dma_wait3A_486 = tpu.memref_slice %arg2[%dma_wait3A_485] : memref<65536xf32, #tpu.memory_space<hbm>> -> memref<65536xf32, #tpu.memory_space<hbm>>
    tpu.wait_indirect_dma semaphore(%arg12 : memref<!tpu.dma_semaphore, #tpu.memory_space<semaphore_mem>>) src(%dma_wait3A_486 : memref<65536xf32, #tpu.memory_space<hbm>>) dst(%dma_wait3A_482 : memref<128xf32, #tpu.memory_space<vmem>>)
    %dma_wait3A_487 = arith.constant 1920 : i32
    %dma_wait3A_488 = tpu.memref_slice %arg9[%dma_wait3A_487] : memref<8192xf32, #tpu.memory_space<vmem>> -> memref<128xf32, #tpu.memory_space<vmem>>
    %dma_wait3A_489 = arith.constant 1920 : i32
    %dma_wait3A_490 = tpu.memref_slice %arg8[%dma_wait3A_489] : memref<8192xi32, #tpu.memory_space<vmem>> -> memref<128xi32, #tpu.memory_space<vmem>>
    %dma_wait3A_491 = arith.constant 0 : i32
    %dma_wait3A_492 = tpu.memref_slice %arg2[%dma_wait3A_491] : memref<65536xf32, #tpu.memory_space<hbm>> -> memref<65536xf32, #tpu.memory_space<hbm>>
    tpu.wait_indirect_dma semaphore(%arg12 : memref<!tpu.dma_semaphore, #tpu.memory_space<semaphore_mem>>) src(%dma_wait3A_492 : memref<65536xf32, #tpu.memory_space<hbm>>) dst(%dma_wait3A_488 : memref<128xf32, #tpu.memory_space<vmem>>)
    %dma_wait3A_493 = arith.constant 2048 : i32
    %dma_wait3A_494 = tpu.memref_slice %arg9[%dma_wait3A_493] : memref<8192xf32, #tpu.memory_space<vmem>> -> memref<128xf32, #tpu.memory_space<vmem>>
    %dma_wait3A_495 = arith.constant 2048 : i32
    %dma_wait3A_496 = tpu.memref_slice %arg8[%dma_wait3A_495] : memref<8192xi32, #tpu.memory_space<vmem>> -> memref<128xi32, #tpu.memory_space<vmem>>
    %dma_wait3A_497 = arith.constant 0 : i32
    %dma_wait3A_498 = tpu.memref_slice %arg2[%dma_wait3A_497] : memref<65536xf32, #tpu.memory_space<hbm>> -> memref<65536xf32, #tpu.memory_space<hbm>>
    tpu.wait_indirect_dma semaphore(%arg12 : memref<!tpu.dma_semaphore, #tpu.memory_space<semaphore_mem>>) src(%dma_wait3A_498 : memref<65536xf32, #tpu.memory_space<hbm>>) dst(%dma_wait3A_494 : memref<128xf32, #tpu.memory_space<vmem>>)
    %dma_wait3A_499 = arith.constant 2176 : i32
    %dma_wait3A_500 = tpu.memref_slice %arg9[%dma_wait3A_499] : memref<8192xf32, #tpu.memory_space<vmem>> -> memref<128xf32, #tpu.memory_space<vmem>>
    %dma_wait3A_501 = arith.constant 2176 : i32
    %dma_wait3A_502 = tpu.memref_slice %arg8[%dma_wait3A_501] : memref<8192xi32, #tpu.memory_space<vmem>> -> memref<128xi32, #tpu.memory_space<vmem>>
    %dma_wait3A_503 = arith.constant 0 : i32
    %dma_wait3A_504 = tpu.memref_slice %arg2[%dma_wait3A_503] : memref<65536xf32, #tpu.memory_space<hbm>> -> memref<65536xf32, #tpu.memory_space<hbm>>
    tpu.wait_indirect_dma semaphore(%arg12 : memref<!tpu.dma_semaphore, #tpu.memory_space<semaphore_mem>>) src(%dma_wait3A_504 : memref<65536xf32, #tpu.memory_space<hbm>>) dst(%dma_wait3A_500 : memref<128xf32, #tpu.memory_space<vmem>>)
    %dma_wait3A_505 = arith.constant 2304 : i32
    %dma_wait3A_506 = tpu.memref_slice %arg9[%dma_wait3A_505] : memref<8192xf32, #tpu.memory_space<vmem>> -> memref<128xf32, #tpu.memory_space<vmem>>
    %dma_wait3A_507 = arith.constant 2304 : i32
    %dma_wait3A_508 = tpu.memref_slice %arg8[%dma_wait3A_507] : memref<8192xi32, #tpu.memory_space<vmem>> -> memref<128xi32, #tpu.memory_space<vmem>>
    %dma_wait3A_509 = arith.constant 0 : i32
    %dma_wait3A_510 = tpu.memref_slice %arg2[%dma_wait3A_509] : memref<65536xf32, #tpu.memory_space<hbm>> -> memref<65536xf32, #tpu.memory_space<hbm>>
    tpu.wait_indirect_dma semaphore(%arg12 : memref<!tpu.dma_semaphore, #tpu.memory_space<semaphore_mem>>) src(%dma_wait3A_510 : memref<65536xf32, #tpu.memory_space<hbm>>) dst(%dma_wait3A_506 : memref<128xf32, #tpu.memory_space<vmem>>)
    %dma_wait3A_511 = arith.constant 2432 : i32
    %dma_wait3A_512 = tpu.memref_slice %arg9[%dma_wait3A_511] : memref<8192xf32, #tpu.memory_space<vmem>> -> memref<128xf32, #tpu.memory_space<vmem>>
    %dma_wait3A_513 = arith.constant 2432 : i32
    %dma_wait3A_514 = tpu.memref_slice %arg8[%dma_wait3A_513] : memref<8192xi32, #tpu.memory_space<vmem>> -> memref<128xi32, #tpu.memory_space<vmem>>
    %dma_wait3A_515 = arith.constant 0 : i32
    %dma_wait3A_516 = tpu.memref_slice %arg2[%dma_wait3A_515] : memref<65536xf32, #tpu.memory_space<hbm>> -> memref<65536xf32, #tpu.memory_space<hbm>>
    tpu.wait_indirect_dma semaphore(%arg12 : memref<!tpu.dma_semaphore, #tpu.memory_space<semaphore_mem>>) src(%dma_wait3A_516 : memref<65536xf32, #tpu.memory_space<hbm>>) dst(%dma_wait3A_512 : memref<128xf32, #tpu.memory_space<vmem>>)
    %dma_wait3A_517 = arith.constant 2560 : i32
    %dma_wait3A_518 = tpu.memref_slice %arg9[%dma_wait3A_517] : memref<8192xf32, #tpu.memory_space<vmem>> -> memref<128xf32, #tpu.memory_space<vmem>>
    %dma_wait3A_519 = arith.constant 2560 : i32
    %dma_wait3A_520 = tpu.memref_slice %arg8[%dma_wait3A_519] : memref<8192xi32, #tpu.memory_space<vmem>> -> memref<128xi32, #tpu.memory_space<vmem>>
    %dma_wait3A_521 = arith.constant 0 : i32
    %dma_wait3A_522 = tpu.memref_slice %arg2[%dma_wait3A_521] : memref<65536xf32, #tpu.memory_space<hbm>> -> memref<65536xf32, #tpu.memory_space<hbm>>
    tpu.wait_indirect_dma semaphore(%arg12 : memref<!tpu.dma_semaphore, #tpu.memory_space<semaphore_mem>>) src(%dma_wait3A_522 : memref<65536xf32, #tpu.memory_space<hbm>>) dst(%dma_wait3A_518 : memref<128xf32, #tpu.memory_space<vmem>>)
    %dma_wait3A_523 = arith.constant 2688 : i32
    %dma_wait3A_524 = tpu.memref_slice %arg9[%dma_wait3A_523] : memref<8192xf32, #tpu.memory_space<vmem>> -> memref<128xf32, #tpu.memory_space<vmem>>
    %dma_wait3A_525 = arith.constant 2688 : i32
    %dma_wait3A_526 = tpu.memref_slice %arg8[%dma_wait3A_525] : memref<8192xi32, #tpu.memory_space<vmem>> -> memref<128xi32, #tpu.memory_space<vmem>>
    %dma_wait3A_527 = arith.constant 0 : i32
    %dma_wait3A_528 = tpu.memref_slice %arg2[%dma_wait3A_527] : memref<65536xf32, #tpu.memory_space<hbm>> -> memref<65536xf32, #tpu.memory_space<hbm>>
    tpu.wait_indirect_dma semaphore(%arg12 : memref<!tpu.dma_semaphore, #tpu.memory_space<semaphore_mem>>) src(%dma_wait3A_528 : memref<65536xf32, #tpu.memory_space<hbm>>) dst(%dma_wait3A_524 : memref<128xf32, #tpu.memory_space<vmem>>)
    %dma_wait3A_529 = arith.constant 2816 : i32
    %dma_wait3A_530 = tpu.memref_slice %arg9[%dma_wait3A_529] : memref<8192xf32, #tpu.memory_space<vmem>> -> memref<128xf32, #tpu.memory_space<vmem>>
    %dma_wait3A_531 = arith.constant 2816 : i32
    %dma_wait3A_532 = tpu.memref_slice %arg8[%dma_wait3A_531] : memref<8192xi32, #tpu.memory_space<vmem>> -> memref<128xi32, #tpu.memory_space<vmem>>
    %dma_wait3A_533 = arith.constant 0 : i32
    %dma_wait3A_534 = tpu.memref_slice %arg2[%dma_wait3A_533] : memref<65536xf32, #tpu.memory_space<hbm>> -> memref<65536xf32, #tpu.memory_space<hbm>>
    tpu.wait_indirect_dma semaphore(%arg12 : memref<!tpu.dma_semaphore, #tpu.memory_space<semaphore_mem>>) src(%dma_wait3A_534 : memref<65536xf32, #tpu.memory_space<hbm>>) dst(%dma_wait3A_530 : memref<128xf32, #tpu.memory_space<vmem>>)
    %dma_wait3A_535 = arith.constant 2944 : i32
    %dma_wait3A_536 = tpu.memref_slice %arg9[%dma_wait3A_535] : memref<8192xf32, #tpu.memory_space<vmem>> -> memref<128xf32, #tpu.memory_space<vmem>>
    %dma_wait3A_537 = arith.constant 2944 : i32
    %dma_wait3A_538 = tpu.memref_slice %arg8[%dma_wait3A_537] : memref<8192xi32, #tpu.memory_space<vmem>> -> memref<128xi32, #tpu.memory_space<vmem>>
    %dma_wait3A_539 = arith.constant 0 : i32
    %dma_wait3A_540 = tpu.memref_slice %arg2[%dma_wait3A_539] : memref<65536xf32, #tpu.memory_space<hbm>> -> memref<65536xf32, #tpu.memory_space<hbm>>
    tpu.wait_indirect_dma semaphore(%arg12 : memref<!tpu.dma_semaphore, #tpu.memory_space<semaphore_mem>>) src(%dma_wait3A_540 : memref<65536xf32, #tpu.memory_space<hbm>>) dst(%dma_wait3A_536 : memref<128xf32, #tpu.memory_space<vmem>>)
    %dma_wait3A_541 = arith.constant 3072 : i32
    %dma_wait3A_542 = tpu.memref_slice %arg9[%dma_wait3A_541] : memref<8192xf32, #tpu.memory_space<vmem>> -> memref<128xf32, #tpu.memory_space<vmem>>
    %dma_wait3A_543 = arith.constant 3072 : i32
    %dma_wait3A_544 = tpu.memref_slice %arg8[%dma_wait3A_543] : memref<8192xi32, #tpu.memory_space<vmem>> -> memref<128xi32, #tpu.memory_space<vmem>>
    %dma_wait3A_545 = arith.constant 0 : i32
    %dma_wait3A_546 = tpu.memref_slice %arg2[%dma_wait3A_545] : memref<65536xf32, #tpu.memory_space<hbm>> -> memref<65536xf32, #tpu.memory_space<hbm>>
    tpu.wait_indirect_dma semaphore(%arg12 : memref<!tpu.dma_semaphore, #tpu.memory_space<semaphore_mem>>) src(%dma_wait3A_546 : memref<65536xf32, #tpu.memory_space<hbm>>) dst(%dma_wait3A_542 : memref<128xf32, #tpu.memory_space<vmem>>)
    %dma_wait3A_547 = arith.constant 3200 : i32
    %dma_wait3A_548 = tpu.memref_slice %arg9[%dma_wait3A_547] : memref<8192xf32, #tpu.memory_space<vmem>> -> memref<128xf32, #tpu.memory_space<vmem>>
    %dma_wait3A_549 = arith.constant 3200 : i32
    %dma_wait3A_550 = tpu.memref_slice %arg8[%dma_wait3A_549] : memref<8192xi32, #tpu.memory_space<vmem>> -> memref<128xi32, #tpu.memory_space<vmem>>
    %dma_wait3A_551 = arith.constant 0 : i32
    %dma_wait3A_552 = tpu.memref_slice %arg2[%dma_wait3A_551] : memref<65536xf32, #tpu.memory_space<hbm>> -> memref<65536xf32, #tpu.memory_space<hbm>>
    tpu.wait_indirect_dma semaphore(%arg12 : memref<!tpu.dma_semaphore, #tpu.memory_space<semaphore_mem>>) src(%dma_wait3A_552 : memref<65536xf32, #tpu.memory_space<hbm>>) dst(%dma_wait3A_548 : memref<128xf32, #tpu.memory_space<vmem>>)
    %dma_wait3A_553 = arith.constant 3328 : i32
    %dma_wait3A_554 = tpu.memref_slice %arg9[%dma_wait3A_553] : memref<8192xf32, #tpu.memory_space<vmem>> -> memref<128xf32, #tpu.memory_space<vmem>>
    %dma_wait3A_555 = arith.constant 3328 : i32
    %dma_wait3A_556 = tpu.memref_slice %arg8[%dma_wait3A_555] : memref<8192xi32, #tpu.memory_space<vmem>> -> memref<128xi32, #tpu.memory_space<vmem>>
    %dma_wait3A_557 = arith.constant 0 : i32
    %dma_wait3A_558 = tpu.memref_slice %arg2[%dma_wait3A_557] : memref<65536xf32, #tpu.memory_space<hbm>> -> memref<65536xf32, #tpu.memory_space<hbm>>
    tpu.wait_indirect_dma semaphore(%arg12 : memref<!tpu.dma_semaphore, #tpu.memory_space<semaphore_mem>>) src(%dma_wait3A_558 : memref<65536xf32, #tpu.memory_space<hbm>>) dst(%dma_wait3A_554 : memref<128xf32, #tpu.memory_space<vmem>>)
    %dma_wait3A_559 = arith.constant 3456 : i32
    %dma_wait3A_560 = tpu.memref_slice %arg9[%dma_wait3A_559] : memref<8192xf32, #tpu.memory_space<vmem>> -> memref<128xf32, #tpu.memory_space<vmem>>
    %dma_wait3A_561 = arith.constant 3456 : i32
    %dma_wait3A_562 = tpu.memref_slice %arg8[%dma_wait3A_561] : memref<8192xi32, #tpu.memory_space<vmem>> -> memref<128xi32, #tpu.memory_space<vmem>>
    %dma_wait3A_563 = arith.constant 0 : i32
    %dma_wait3A_564 = tpu.memref_slice %arg2[%dma_wait3A_563] : memref<65536xf32, #tpu.memory_space<hbm>> -> memref<65536xf32, #tpu.memory_space<hbm>>
    tpu.wait_indirect_dma semaphore(%arg12 : memref<!tpu.dma_semaphore, #tpu.memory_space<semaphore_mem>>) src(%dma_wait3A_564 : memref<65536xf32, #tpu.memory_space<hbm>>) dst(%dma_wait3A_560 : memref<128xf32, #tpu.memory_space<vmem>>)
    %dma_wait3A_565 = arith.constant 3584 : i32
    %dma_wait3A_566 = tpu.memref_slice %arg9[%dma_wait3A_565] : memref<8192xf32, #tpu.memory_space<vmem>> -> memref<128xf32, #tpu.memory_space<vmem>>
    %dma_wait3A_567 = arith.constant 3584 : i32
    %dma_wait3A_568 = tpu.memref_slice %arg8[%dma_wait3A_567] : memref<8192xi32, #tpu.memory_space<vmem>> -> memref<128xi32, #tpu.memory_space<vmem>>
    %dma_wait3A_569 = arith.constant 0 : i32
    %dma_wait3A_570 = tpu.memref_slice %arg2[%dma_wait3A_569] : memref<65536xf32, #tpu.memory_space<hbm>> -> memref<65536xf32, #tpu.memory_space<hbm>>
    tpu.wait_indirect_dma semaphore(%arg12 : memref<!tpu.dma_semaphore, #tpu.memory_space<semaphore_mem>>) src(%dma_wait3A_570 : memref<65536xf32, #tpu.memory_space<hbm>>) dst(%dma_wait3A_566 : memref<128xf32, #tpu.memory_space<vmem>>)
    %dma_wait3A_571 = arith.constant 3712 : i32
    %dma_wait3A_572 = tpu.memref_slice %arg9[%dma_wait3A_571] : memref<8192xf32, #tpu.memory_space<vmem>> -> memref<128xf32, #tpu.memory_space<vmem>>
    %dma_wait3A_573 = arith.constant 3712 : i32
    %dma_wait3A_574 = tpu.memref_slice %arg8[%dma_wait3A_573] : memref<8192xi32, #tpu.memory_space<vmem>> -> memref<128xi32, #tpu.memory_space<vmem>>
    %dma_wait3A_575 = arith.constant 0 : i32
    %dma_wait3A_576 = tpu.memref_slice %arg2[%dma_wait3A_575] : memref<65536xf32, #tpu.memory_space<hbm>> -> memref<65536xf32, #tpu.memory_space<hbm>>
    tpu.wait_indirect_dma semaphore(%arg12 : memref<!tpu.dma_semaphore, #tpu.memory_space<semaphore_mem>>) src(%dma_wait3A_576 : memref<65536xf32, #tpu.memory_space<hbm>>) dst(%dma_wait3A_572 : memref<128xf32, #tpu.memory_space<vmem>>)
    %dma_wait3A_577 = arith.constant 3840 : i32
    %dma_wait3A_578 = tpu.memref_slice %arg9[%dma_wait3A_577] : memref<8192xf32, #tpu.memory_space<vmem>> -> memref<128xf32, #tpu.memory_space<vmem>>
    %dma_wait3A_579 = arith.constant 3840 : i32
    %dma_wait3A_580 = tpu.memref_slice %arg8[%dma_wait3A_579] : memref<8192xi32, #tpu.memory_space<vmem>> -> memref<128xi32, #tpu.memory_space<vmem>>
    %dma_wait3A_581 = arith.constant 0 : i32
    %dma_wait3A_582 = tpu.memref_slice %arg2[%dma_wait3A_581] : memref<65536xf32, #tpu.memory_space<hbm>> -> memref<65536xf32, #tpu.memory_space<hbm>>
    tpu.wait_indirect_dma semaphore(%arg12 : memref<!tpu.dma_semaphore, #tpu.memory_space<semaphore_mem>>) src(%dma_wait3A_582 : memref<65536xf32, #tpu.memory_space<hbm>>) dst(%dma_wait3A_578 : memref<128xf32, #tpu.memory_space<vmem>>)
    %dma_wait3A_583 = arith.constant 3968 : i32
    %dma_wait3A_584 = tpu.memref_slice %arg9[%dma_wait3A_583] : memref<8192xf32, #tpu.memory_space<vmem>> -> memref<128xf32, #tpu.memory_space<vmem>>
    %dma_wait3A_585 = arith.constant 3968 : i32
    %dma_wait3A_586 = tpu.memref_slice %arg8[%dma_wait3A_585] : memref<8192xi32, #tpu.memory_space<vmem>> -> memref<128xi32, #tpu.memory_space<vmem>>
    %dma_wait3A_587 = arith.constant 0 : i32
    %dma_wait3A_588 = tpu.memref_slice %arg2[%dma_wait3A_587] : memref<65536xf32, #tpu.memory_space<hbm>> -> memref<65536xf32, #tpu.memory_space<hbm>>
    tpu.wait_indirect_dma semaphore(%arg12 : memref<!tpu.dma_semaphore, #tpu.memory_space<semaphore_mem>>) src(%dma_wait3A_588 : memref<65536xf32, #tpu.memory_space<hbm>>) dst(%dma_wait3A_584 : memref<128xf32, #tpu.memory_space<vmem>>)
    %dma_wait3A_589 = arith.constant 4096 : i32
    %dma_wait3A_590 = tpu.memref_slice %arg9[%dma_wait3A_589] : memref<8192xf32, #tpu.memory_space<vmem>> -> memref<128xf32, #tpu.memory_space<vmem>>
    %dma_wait3A_591 = arith.constant 4096 : i32
    %dma_wait3A_592 = tpu.memref_slice %arg8[%dma_wait3A_591] : memref<8192xi32, #tpu.memory_space<vmem>> -> memref<128xi32, #tpu.memory_space<vmem>>
    %dma_wait3A_593 = arith.constant 0 : i32
    %dma_wait3A_594 = tpu.memref_slice %arg2[%dma_wait3A_593] : memref<65536xf32, #tpu.memory_space<hbm>> -> memref<65536xf32, #tpu.memory_space<hbm>>
    tpu.wait_indirect_dma semaphore(%arg12 : memref<!tpu.dma_semaphore, #tpu.memory_space<semaphore_mem>>) src(%dma_wait3A_594 : memref<65536xf32, #tpu.memory_space<hbm>>) dst(%dma_wait3A_590 : memref<128xf32, #tpu.memory_space<vmem>>)
    %dma_wait3A_595 = arith.constant 4224 : i32
    %dma_wait3A_596 = tpu.memref_slice %arg9[%dma_wait3A_595] : memref<8192xf32, #tpu.memory_space<vmem>> -> memref<128xf32, #tpu.memory_space<vmem>>
    %dma_wait3A_597 = arith.constant 4224 : i32
    %dma_wait3A_598 = tpu.memref_slice %arg8[%dma_wait3A_597] : memref<8192xi32, #tpu.memory_space<vmem>> -> memref<128xi32, #tpu.memory_space<vmem>>
    %dma_wait3A_599 = arith.constant 0 : i32
    %dma_wait3A_600 = tpu.memref_slice %arg2[%dma_wait3A_599] : memref<65536xf32, #tpu.memory_space<hbm>> -> memref<65536xf32, #tpu.memory_space<hbm>>
    tpu.wait_indirect_dma semaphore(%arg12 : memref<!tpu.dma_semaphore, #tpu.memory_space<semaphore_mem>>) src(%dma_wait3A_600 : memref<65536xf32, #tpu.memory_space<hbm>>) dst(%dma_wait3A_596 : memref<128xf32, #tpu.memory_space<vmem>>)
    %dma_wait3A_601 = arith.constant 4352 : i32
    %dma_wait3A_602 = tpu.memref_slice %arg9[%dma_wait3A_601] : memref<8192xf32, #tpu.memory_space<vmem>> -> memref<128xf32, #tpu.memory_space<vmem>>
    %dma_wait3A_603 = arith.constant 4352 : i32
    %dma_wait3A_604 = tpu.memref_slice %arg8[%dma_wait3A_603] : memref<8192xi32, #tpu.memory_space<vmem>> -> memref<128xi32, #tpu.memory_space<vmem>>
    %dma_wait3A_605 = arith.constant 0 : i32
    %dma_wait3A_606 = tpu.memref_slice %arg2[%dma_wait3A_605] : memref<65536xf32, #tpu.memory_space<hbm>> -> memref<65536xf32, #tpu.memory_space<hbm>>
    tpu.wait_indirect_dma semaphore(%arg12 : memref<!tpu.dma_semaphore, #tpu.memory_space<semaphore_mem>>) src(%dma_wait3A_606 : memref<65536xf32, #tpu.memory_space<hbm>>) dst(%dma_wait3A_602 : memref<128xf32, #tpu.memory_space<vmem>>)
    %dma_wait3A_607 = arith.constant 4480 : i32
    %dma_wait3A_608 = tpu.memref_slice %arg9[%dma_wait3A_607] : memref<8192xf32, #tpu.memory_space<vmem>> -> memref<128xf32, #tpu.memory_space<vmem>>
    %dma_wait3A_609 = arith.constant 4480 : i32
    %dma_wait3A_610 = tpu.memref_slice %arg8[%dma_wait3A_609] : memref<8192xi32, #tpu.memory_space<vmem>> -> memref<128xi32, #tpu.memory_space<vmem>>
    %dma_wait3A_611 = arith.constant 0 : i32
    %dma_wait3A_612 = tpu.memref_slice %arg2[%dma_wait3A_611] : memref<65536xf32, #tpu.memory_space<hbm>> -> memref<65536xf32, #tpu.memory_space<hbm>>
    tpu.wait_indirect_dma semaphore(%arg12 : memref<!tpu.dma_semaphore, #tpu.memory_space<semaphore_mem>>) src(%dma_wait3A_612 : memref<65536xf32, #tpu.memory_space<hbm>>) dst(%dma_wait3A_608 : memref<128xf32, #tpu.memory_space<vmem>>)
    %dma_wait3A_613 = arith.constant 4608 : i32
    %dma_wait3A_614 = tpu.memref_slice %arg9[%dma_wait3A_613] : memref<8192xf32, #tpu.memory_space<vmem>> -> memref<128xf32, #tpu.memory_space<vmem>>
    %dma_wait3A_615 = arith.constant 4608 : i32
    %dma_wait3A_616 = tpu.memref_slice %arg8[%dma_wait3A_615] : memref<8192xi32, #tpu.memory_space<vmem>> -> memref<128xi32, #tpu.memory_space<vmem>>
    %dma_wait3A_617 = arith.constant 0 : i32
    %dma_wait3A_618 = tpu.memref_slice %arg2[%dma_wait3A_617] : memref<65536xf32, #tpu.memory_space<hbm>> -> memref<65536xf32, #tpu.memory_space<hbm>>
    tpu.wait_indirect_dma semaphore(%arg12 : memref<!tpu.dma_semaphore, #tpu.memory_space<semaphore_mem>>) src(%dma_wait3A_618 : memref<65536xf32, #tpu.memory_space<hbm>>) dst(%dma_wait3A_614 : memref<128xf32, #tpu.memory_space<vmem>>)
    %dma_wait3A_619 = arith.constant 4736 : i32
    %dma_wait3A_620 = tpu.memref_slice %arg9[%dma_wait3A_619] : memref<8192xf32, #tpu.memory_space<vmem>> -> memref<128xf32, #tpu.memory_space<vmem>>
    %dma_wait3A_621 = arith.constant 4736 : i32
    %dma_wait3A_622 = tpu.memref_slice %arg8[%dma_wait3A_621] : memref<8192xi32, #tpu.memory_space<vmem>> -> memref<128xi32, #tpu.memory_space<vmem>>
    %dma_wait3A_623 = arith.constant 0 : i32
    %dma_wait3A_624 = tpu.memref_slice %arg2[%dma_wait3A_623] : memref<65536xf32, #tpu.memory_space<hbm>> -> memref<65536xf32, #tpu.memory_space<hbm>>
    tpu.wait_indirect_dma semaphore(%arg12 : memref<!tpu.dma_semaphore, #tpu.memory_space<semaphore_mem>>) src(%dma_wait3A_624 : memref<65536xf32, #tpu.memory_space<hbm>>) dst(%dma_wait3A_620 : memref<128xf32, #tpu.memory_space<vmem>>)
    %dma_wait3A_625 = arith.constant 4864 : i32
    %dma_wait3A_626 = tpu.memref_slice %arg9[%dma_wait3A_625] : memref<8192xf32, #tpu.memory_space<vmem>> -> memref<128xf32, #tpu.memory_space<vmem>>
    %dma_wait3A_627 = arith.constant 4864 : i32
    %dma_wait3A_628 = tpu.memref_slice %arg8[%dma_wait3A_627] : memref<8192xi32, #tpu.memory_space<vmem>> -> memref<128xi32, #tpu.memory_space<vmem>>
    %dma_wait3A_629 = arith.constant 0 : i32
    %dma_wait3A_630 = tpu.memref_slice %arg2[%dma_wait3A_629] : memref<65536xf32, #tpu.memory_space<hbm>> -> memref<65536xf32, #tpu.memory_space<hbm>>
    tpu.wait_indirect_dma semaphore(%arg12 : memref<!tpu.dma_semaphore, #tpu.memory_space<semaphore_mem>>) src(%dma_wait3A_630 : memref<65536xf32, #tpu.memory_space<hbm>>) dst(%dma_wait3A_626 : memref<128xf32, #tpu.memory_space<vmem>>)
    %dma_wait3A_631 = arith.constant 4992 : i32
    %dma_wait3A_632 = tpu.memref_slice %arg9[%dma_wait3A_631] : memref<8192xf32, #tpu.memory_space<vmem>> -> memref<128xf32, #tpu.memory_space<vmem>>
    %dma_wait3A_633 = arith.constant 4992 : i32
    %dma_wait3A_634 = tpu.memref_slice %arg8[%dma_wait3A_633] : memref<8192xi32, #tpu.memory_space<vmem>> -> memref<128xi32, #tpu.memory_space<vmem>>
    %dma_wait3A_635 = arith.constant 0 : i32
    %dma_wait3A_636 = tpu.memref_slice %arg2[%dma_wait3A_635] : memref<65536xf32, #tpu.memory_space<hbm>> -> memref<65536xf32, #tpu.memory_space<hbm>>
    tpu.wait_indirect_dma semaphore(%arg12 : memref<!tpu.dma_semaphore, #tpu.memory_space<semaphore_mem>>) src(%dma_wait3A_636 : memref<65536xf32, #tpu.memory_space<hbm>>) dst(%dma_wait3A_632 : memref<128xf32, #tpu.memory_space<vmem>>)
    %dma_wait3A_637 = arith.constant 5120 : i32
    %dma_wait3A_638 = tpu.memref_slice %arg9[%dma_wait3A_637] : memref<8192xf32, #tpu.memory_space<vmem>> -> memref<128xf32, #tpu.memory_space<vmem>>
    %dma_wait3A_639 = arith.constant 5120 : i32
    %dma_wait3A_640 = tpu.memref_slice %arg8[%dma_wait3A_639] : memref<8192xi32, #tpu.memory_space<vmem>> -> memref<128xi32, #tpu.memory_space<vmem>>
    %dma_wait3A_641 = arith.constant 0 : i32
    %dma_wait3A_642 = tpu.memref_slice %arg2[%dma_wait3A_641] : memref<65536xf32, #tpu.memory_space<hbm>> -> memref<65536xf32, #tpu.memory_space<hbm>>
    tpu.wait_indirect_dma semaphore(%arg12 : memref<!tpu.dma_semaphore, #tpu.memory_space<semaphore_mem>>) src(%dma_wait3A_642 : memref<65536xf32, #tpu.memory_space<hbm>>) dst(%dma_wait3A_638 : memref<128xf32, #tpu.memory_space<vmem>>)
    %dma_wait3A_643 = arith.constant 5248 : i32
    %dma_wait3A_644 = tpu.memref_slice %arg9[%dma_wait3A_643] : memref<8192xf32, #tpu.memory_space<vmem>> -> memref<128xf32, #tpu.memory_space<vmem>>
    %dma_wait3A_645 = arith.constant 5248 : i32
    %dma_wait3A_646 = tpu.memref_slice %arg8[%dma_wait3A_645] : memref<8192xi32, #tpu.memory_space<vmem>> -> memref<128xi32, #tpu.memory_space<vmem>>
    %dma_wait3A_647 = arith.constant 0 : i32
    %dma_wait3A_648 = tpu.memref_slice %arg2[%dma_wait3A_647] : memref<65536xf32, #tpu.memory_space<hbm>> -> memref<65536xf32, #tpu.memory_space<hbm>>
    tpu.wait_indirect_dma semaphore(%arg12 : memref<!tpu.dma_semaphore, #tpu.memory_space<semaphore_mem>>) src(%dma_wait3A_648 : memref<65536xf32, #tpu.memory_space<hbm>>) dst(%dma_wait3A_644 : memref<128xf32, #tpu.memory_space<vmem>>)
    %dma_wait3A_649 = arith.constant 5376 : i32
    %dma_wait3A_650 = tpu.memref_slice %arg9[%dma_wait3A_649] : memref<8192xf32, #tpu.memory_space<vmem>> -> memref<128xf32, #tpu.memory_space<vmem>>
    %dma_wait3A_651 = arith.constant 5376 : i32
    %dma_wait3A_652 = tpu.memref_slice %arg8[%dma_wait3A_651] : memref<8192xi32, #tpu.memory_space<vmem>> -> memref<128xi32, #tpu.memory_space<vmem>>
    %dma_wait3A_653 = arith.constant 0 : i32
    %dma_wait3A_654 = tpu.memref_slice %arg2[%dma_wait3A_653] : memref<65536xf32, #tpu.memory_space<hbm>> -> memref<65536xf32, #tpu.memory_space<hbm>>
    tpu.wait_indirect_dma semaphore(%arg12 : memref<!tpu.dma_semaphore, #tpu.memory_space<semaphore_mem>>) src(%dma_wait3A_654 : memref<65536xf32, #tpu.memory_space<hbm>>) dst(%dma_wait3A_650 : memref<128xf32, #tpu.memory_space<vmem>>)
    %dma_wait3A_655 = arith.constant 5504 : i32
    %dma_wait3A_656 = tpu.memref_slice %arg9[%dma_wait3A_655] : memref<8192xf32, #tpu.memory_space<vmem>> -> memref<128xf32, #tpu.memory_space<vmem>>
    %dma_wait3A_657 = arith.constant 5504 : i32
    %dma_wait3A_658 = tpu.memref_slice %arg8[%dma_wait3A_657] : memref<8192xi32, #tpu.memory_space<vmem>> -> memref<128xi32, #tpu.memory_space<vmem>>
    %dma_wait3A_659 = arith.constant 0 : i32
    %dma_wait3A_660 = tpu.memref_slice %arg2[%dma_wait3A_659] : memref<65536xf32, #tpu.memory_space<hbm>> -> memref<65536xf32, #tpu.memory_space<hbm>>
    tpu.wait_indirect_dma semaphore(%arg12 : memref<!tpu.dma_semaphore, #tpu.memory_space<semaphore_mem>>) src(%dma_wait3A_660 : memref<65536xf32, #tpu.memory_space<hbm>>) dst(%dma_wait3A_656 : memref<128xf32, #tpu.memory_space<vmem>>)
    %dma_wait3A_661 = arith.constant 5632 : i32
    %dma_wait3A_662 = tpu.memref_slice %arg9[%dma_wait3A_661] : memref<8192xf32, #tpu.memory_space<vmem>> -> memref<128xf32, #tpu.memory_space<vmem>>
    %dma_wait3A_663 = arith.constant 5632 : i32
    %dma_wait3A_664 = tpu.memref_slice %arg8[%dma_wait3A_663] : memref<8192xi32, #tpu.memory_space<vmem>> -> memref<128xi32, #tpu.memory_space<vmem>>
    %dma_wait3A_665 = arith.constant 0 : i32
    %dma_wait3A_666 = tpu.memref_slice %arg2[%dma_wait3A_665] : memref<65536xf32, #tpu.memory_space<hbm>> -> memref<65536xf32, #tpu.memory_space<hbm>>
    tpu.wait_indirect_dma semaphore(%arg12 : memref<!tpu.dma_semaphore, #tpu.memory_space<semaphore_mem>>) src(%dma_wait3A_666 : memref<65536xf32, #tpu.memory_space<hbm>>) dst(%dma_wait3A_662 : memref<128xf32, #tpu.memory_space<vmem>>)
    %dma_wait3A_667 = arith.constant 5760 : i32
    %dma_wait3A_668 = tpu.memref_slice %arg9[%dma_wait3A_667] : memref<8192xf32, #tpu.memory_space<vmem>> -> memref<128xf32, #tpu.memory_space<vmem>>
    %dma_wait3A_669 = arith.constant 5760 : i32
    %dma_wait3A_670 = tpu.memref_slice %arg8[%dma_wait3A_669] : memref<8192xi32, #tpu.memory_space<vmem>> -> memref<128xi32, #tpu.memory_space<vmem>>
    %dma_wait3A_671 = arith.constant 0 : i32
    %dma_wait3A_672 = tpu.memref_slice %arg2[%dma_wait3A_671] : memref<65536xf32, #tpu.memory_space<hbm>> -> memref<65536xf32, #tpu.memory_space<hbm>>
    tpu.wait_indirect_dma semaphore(%arg12 : memref<!tpu.dma_semaphore, #tpu.memory_space<semaphore_mem>>) src(%dma_wait3A_672 : memref<65536xf32, #tpu.memory_space<hbm>>) dst(%dma_wait3A_668 : memref<128xf32, #tpu.memory_space<vmem>>)
    %dma_wait3A_673 = arith.constant 5888 : i32
    %dma_wait3A_674 = tpu.memref_slice %arg9[%dma_wait3A_673] : memref<8192xf32, #tpu.memory_space<vmem>> -> memref<128xf32, #tpu.memory_space<vmem>>
    %dma_wait3A_675 = arith.constant 5888 : i32
    %dma_wait3A_676 = tpu.memref_slice %arg8[%dma_wait3A_675] : memref<8192xi32, #tpu.memory_space<vmem>> -> memref<128xi32, #tpu.memory_space<vmem>>
    %dma_wait3A_677 = arith.constant 0 : i32
    %dma_wait3A_678 = tpu.memref_slice %arg2[%dma_wait3A_677] : memref<65536xf32, #tpu.memory_space<hbm>> -> memref<65536xf32, #tpu.memory_space<hbm>>
    tpu.wait_indirect_dma semaphore(%arg12 : memref<!tpu.dma_semaphore, #tpu.memory_space<semaphore_mem>>) src(%dma_wait3A_678 : memref<65536xf32, #tpu.memory_space<hbm>>) dst(%dma_wait3A_674 : memref<128xf32, #tpu.memory_space<vmem>>)
    %dma_wait3A_679 = arith.constant 6016 : i32
    %dma_wait3A_680 = tpu.memref_slice %arg9[%dma_wait3A_679] : memref<8192xf32, #tpu.memory_space<vmem>> -> memref<128xf32, #tpu.memory_space<vmem>>
    %dma_wait3A_681 = arith.constant 6016 : i32
    %dma_wait3A_682 = tpu.memref_slice %arg8[%dma_wait3A_681] : memref<8192xi32, #tpu.memory_space<vmem>> -> memref<128xi32, #tpu.memory_space<vmem>>
    %dma_wait3A_683 = arith.constant 0 : i32
    %dma_wait3A_684 = tpu.memref_slice %arg2[%dma_wait3A_683] : memref<65536xf32, #tpu.memory_space<hbm>> -> memref<65536xf32, #tpu.memory_space<hbm>>
    tpu.wait_indirect_dma semaphore(%arg12 : memref<!tpu.dma_semaphore, #tpu.memory_space<semaphore_mem>>) src(%dma_wait3A_684 : memref<65536xf32, #tpu.memory_space<hbm>>) dst(%dma_wait3A_680 : memref<128xf32, #tpu.memory_space<vmem>>)
    %dma_wait3A_685 = arith.constant 6144 : i32
    %dma_wait3A_686 = tpu.memref_slice %arg9[%dma_wait3A_685] : memref<8192xf32, #tpu.memory_space<vmem>> -> memref<128xf32, #tpu.memory_space<vmem>>
    %dma_wait3A_687 = arith.constant 6144 : i32
    %dma_wait3A_688 = tpu.memref_slice %arg8[%dma_wait3A_687] : memref<8192xi32, #tpu.memory_space<vmem>> -> memref<128xi32, #tpu.memory_space<vmem>>
    %dma_wait3A_689 = arith.constant 0 : i32
    %dma_wait3A_690 = tpu.memref_slice %arg2[%dma_wait3A_689] : memref<65536xf32, #tpu.memory_space<hbm>> -> memref<65536xf32, #tpu.memory_space<hbm>>
    tpu.wait_indirect_dma semaphore(%arg12 : memref<!tpu.dma_semaphore, #tpu.memory_space<semaphore_mem>>) src(%dma_wait3A_690 : memref<65536xf32, #tpu.memory_space<hbm>>) dst(%dma_wait3A_686 : memref<128xf32, #tpu.memory_space<vmem>>)
    %dma_wait3A_691 = arith.constant 6272 : i32
    %dma_wait3A_692 = tpu.memref_slice %arg9[%dma_wait3A_691] : memref<8192xf32, #tpu.memory_space<vmem>> -> memref<128xf32, #tpu.memory_space<vmem>>
    %dma_wait3A_693 = arith.constant 6272 : i32
    %dma_wait3A_694 = tpu.memref_slice %arg8[%dma_wait3A_693] : memref<8192xi32, #tpu.memory_space<vmem>> -> memref<128xi32, #tpu.memory_space<vmem>>
    %dma_wait3A_695 = arith.constant 0 : i32
    %dma_wait3A_696 = tpu.memref_slice %arg2[%dma_wait3A_695] : memref<65536xf32, #tpu.memory_space<hbm>> -> memref<65536xf32, #tpu.memory_space<hbm>>
    tpu.wait_indirect_dma semaphore(%arg12 : memref<!tpu.dma_semaphore, #tpu.memory_space<semaphore_mem>>) src(%dma_wait3A_696 : memref<65536xf32, #tpu.memory_space<hbm>>) dst(%dma_wait3A_692 : memref<128xf32, #tpu.memory_space<vmem>>)
    %dma_wait3A_697 = arith.constant 6400 : i32
    %dma_wait3A_698 = tpu.memref_slice %arg9[%dma_wait3A_697] : memref<8192xf32, #tpu.memory_space<vmem>> -> memref<128xf32, #tpu.memory_space<vmem>>
    %dma_wait3A_699 = arith.constant 6400 : i32
    %dma_wait3A_700 = tpu.memref_slice %arg8[%dma_wait3A_699] : memref<8192xi32, #tpu.memory_space<vmem>> -> memref<128xi32, #tpu.memory_space<vmem>>
    %dma_wait3A_701 = arith.constant 0 : i32
    %dma_wait3A_702 = tpu.memref_slice %arg2[%dma_wait3A_701] : memref<65536xf32, #tpu.memory_space<hbm>> -> memref<65536xf32, #tpu.memory_space<hbm>>
    tpu.wait_indirect_dma semaphore(%arg12 : memref<!tpu.dma_semaphore, #tpu.memory_space<semaphore_mem>>) src(%dma_wait3A_702 : memref<65536xf32, #tpu.memory_space<hbm>>) dst(%dma_wait3A_698 : memref<128xf32, #tpu.memory_space<vmem>>)
    %dma_wait3A_703 = arith.constant 6528 : i32
    %dma_wait3A_704 = tpu.memref_slice %arg9[%dma_wait3A_703] : memref<8192xf32, #tpu.memory_space<vmem>> -> memref<128xf32, #tpu.memory_space<vmem>>
    %dma_wait3A_705 = arith.constant 6528 : i32
    %dma_wait3A_706 = tpu.memref_slice %arg8[%dma_wait3A_705] : memref<8192xi32, #tpu.memory_space<vmem>> -> memref<128xi32, #tpu.memory_space<vmem>>
    %dma_wait3A_707 = arith.constant 0 : i32
    %dma_wait3A_708 = tpu.memref_slice %arg2[%dma_wait3A_707] : memref<65536xf32, #tpu.memory_space<hbm>> -> memref<65536xf32, #tpu.memory_space<hbm>>
    tpu.wait_indirect_dma semaphore(%arg12 : memref<!tpu.dma_semaphore, #tpu.memory_space<semaphore_mem>>) src(%dma_wait3A_708 : memref<65536xf32, #tpu.memory_space<hbm>>) dst(%dma_wait3A_704 : memref<128xf32, #tpu.memory_space<vmem>>)
    %dma_wait3A_709 = arith.constant 6656 : i32
    %dma_wait3A_710 = tpu.memref_slice %arg9[%dma_wait3A_709] : memref<8192xf32, #tpu.memory_space<vmem>> -> memref<128xf32, #tpu.memory_space<vmem>>
    %dma_wait3A_711 = arith.constant 6656 : i32
    %dma_wait3A_712 = tpu.memref_slice %arg8[%dma_wait3A_711] : memref<8192xi32, #tpu.memory_space<vmem>> -> memref<128xi32, #tpu.memory_space<vmem>>
    %dma_wait3A_713 = arith.constant 0 : i32
    %dma_wait3A_714 = tpu.memref_slice %arg2[%dma_wait3A_713] : memref<65536xf32, #tpu.memory_space<hbm>> -> memref<65536xf32, #tpu.memory_space<hbm>>
    tpu.wait_indirect_dma semaphore(%arg12 : memref<!tpu.dma_semaphore, #tpu.memory_space<semaphore_mem>>) src(%dma_wait3A_714 : memref<65536xf32, #tpu.memory_space<hbm>>) dst(%dma_wait3A_710 : memref<128xf32, #tpu.memory_space<vmem>>)
    %dma_wait3A_715 = arith.constant 6784 : i32
    %dma_wait3A_716 = tpu.memref_slice %arg9[%dma_wait3A_715] : memref<8192xf32, #tpu.memory_space<vmem>> -> memref<128xf32, #tpu.memory_space<vmem>>
    %dma_wait3A_717 = arith.constant 6784 : i32
    %dma_wait3A_718 = tpu.memref_slice %arg8[%dma_wait3A_717] : memref<8192xi32, #tpu.memory_space<vmem>> -> memref<128xi32, #tpu.memory_space<vmem>>
    %dma_wait3A_719 = arith.constant 0 : i32
    %dma_wait3A_720 = tpu.memref_slice %arg2[%dma_wait3A_719] : memref<65536xf32, #tpu.memory_space<hbm>> -> memref<65536xf32, #tpu.memory_space<hbm>>
    tpu.wait_indirect_dma semaphore(%arg12 : memref<!tpu.dma_semaphore, #tpu.memory_space<semaphore_mem>>) src(%dma_wait3A_720 : memref<65536xf32, #tpu.memory_space<hbm>>) dst(%dma_wait3A_716 : memref<128xf32, #tpu.memory_space<vmem>>)
    %dma_wait3A_721 = arith.constant 6912 : i32
    %dma_wait3A_722 = tpu.memref_slice %arg9[%dma_wait3A_721] : memref<8192xf32, #tpu.memory_space<vmem>> -> memref<128xf32, #tpu.memory_space<vmem>>
    %dma_wait3A_723 = arith.constant 6912 : i32
    %dma_wait3A_724 = tpu.memref_slice %arg8[%dma_wait3A_723] : memref<8192xi32, #tpu.memory_space<vmem>> -> memref<128xi32, #tpu.memory_space<vmem>>
    %dma_wait3A_725 = arith.constant 0 : i32
    %dma_wait3A_726 = tpu.memref_slice %arg2[%dma_wait3A_725] : memref<65536xf32, #tpu.memory_space<hbm>> -> memref<65536xf32, #tpu.memory_space<hbm>>
    tpu.wait_indirect_dma semaphore(%arg12 : memref<!tpu.dma_semaphore, #tpu.memory_space<semaphore_mem>>) src(%dma_wait3A_726 : memref<65536xf32, #tpu.memory_space<hbm>>) dst(%dma_wait3A_722 : memref<128xf32, #tpu.memory_space<vmem>>)
    %dma_wait3A_727 = arith.constant 7040 : i32
    %dma_wait3A_728 = tpu.memref_slice %arg9[%dma_wait3A_727] : memref<8192xf32, #tpu.memory_space<vmem>> -> memref<128xf32, #tpu.memory_space<vmem>>
    %dma_wait3A_729 = arith.constant 7040 : i32
    %dma_wait3A_730 = tpu.memref_slice %arg8[%dma_wait3A_729] : memref<8192xi32, #tpu.memory_space<vmem>> -> memref<128xi32, #tpu.memory_space<vmem>>
    %dma_wait3A_731 = arith.constant 0 : i32
    %dma_wait3A_732 = tpu.memref_slice %arg2[%dma_wait3A_731] : memref<65536xf32, #tpu.memory_space<hbm>> -> memref<65536xf32, #tpu.memory_space<hbm>>
    tpu.wait_indirect_dma semaphore(%arg12 : memref<!tpu.dma_semaphore, #tpu.memory_space<semaphore_mem>>) src(%dma_wait3A_732 : memref<65536xf32, #tpu.memory_space<hbm>>) dst(%dma_wait3A_728 : memref<128xf32, #tpu.memory_space<vmem>>)
    %dma_wait3A_733 = arith.constant 7168 : i32
    %dma_wait3A_734 = tpu.memref_slice %arg9[%dma_wait3A_733] : memref<8192xf32, #tpu.memory_space<vmem>> -> memref<128xf32, #tpu.memory_space<vmem>>
    %dma_wait3A_735 = arith.constant 7168 : i32
    %dma_wait3A_736 = tpu.memref_slice %arg8[%dma_wait3A_735] : memref<8192xi32, #tpu.memory_space<vmem>> -> memref<128xi32, #tpu.memory_space<vmem>>
    %dma_wait3A_737 = arith.constant 0 : i32
    %dma_wait3A_738 = tpu.memref_slice %arg2[%dma_wait3A_737] : memref<65536xf32, #tpu.memory_space<hbm>> -> memref<65536xf32, #tpu.memory_space<hbm>>
    tpu.wait_indirect_dma semaphore(%arg12 : memref<!tpu.dma_semaphore, #tpu.memory_space<semaphore_mem>>) src(%dma_wait3A_738 : memref<65536xf32, #tpu.memory_space<hbm>>) dst(%dma_wait3A_734 : memref<128xf32, #tpu.memory_space<vmem>>)
    %dma_wait3A_739 = arith.constant 7296 : i32
    %dma_wait3A_740 = tpu.memref_slice %arg9[%dma_wait3A_739] : memref<8192xf32, #tpu.memory_space<vmem>> -> memref<128xf32, #tpu.memory_space<vmem>>
    %dma_wait3A_741 = arith.constant 7296 : i32
    %dma_wait3A_742 = tpu.memref_slice %arg8[%dma_wait3A_741] : memref<8192xi32, #tpu.memory_space<vmem>> -> memref<128xi32, #tpu.memory_space<vmem>>
    %dma_wait3A_743 = arith.constant 0 : i32
    %dma_wait3A_744 = tpu.memref_slice %arg2[%dma_wait3A_743] : memref<65536xf32, #tpu.memory_space<hbm>> -> memref<65536xf32, #tpu.memory_space<hbm>>
    tpu.wait_indirect_dma semaphore(%arg12 : memref<!tpu.dma_semaphore, #tpu.memory_space<semaphore_mem>>) src(%dma_wait3A_744 : memref<65536xf32, #tpu.memory_space<hbm>>) dst(%dma_wait3A_740 : memref<128xf32, #tpu.memory_space<vmem>>)
    %dma_wait3A_745 = arith.constant 7424 : i32
    %dma_wait3A_746 = tpu.memref_slice %arg9[%dma_wait3A_745] : memref<8192xf32, #tpu.memory_space<vmem>> -> memref<128xf32, #tpu.memory_space<vmem>>
    %dma_wait3A_747 = arith.constant 7424 : i32
    %dma_wait3A_748 = tpu.memref_slice %arg8[%dma_wait3A_747] : memref<8192xi32, #tpu.memory_space<vmem>> -> memref<128xi32, #tpu.memory_space<vmem>>
    %dma_wait3A_749 = arith.constant 0 : i32
    %dma_wait3A_750 = tpu.memref_slice %arg2[%dma_wait3A_749] : memref<65536xf32, #tpu.memory_space<hbm>> -> memref<65536xf32, #tpu.memory_space<hbm>>
    tpu.wait_indirect_dma semaphore(%arg12 : memref<!tpu.dma_semaphore, #tpu.memory_space<semaphore_mem>>) src(%dma_wait3A_750 : memref<65536xf32, #tpu.memory_space<hbm>>) dst(%dma_wait3A_746 : memref<128xf32, #tpu.memory_space<vmem>>)
    %dma_wait3A_751 = arith.constant 7552 : i32
    %dma_wait3A_752 = tpu.memref_slice %arg9[%dma_wait3A_751] : memref<8192xf32, #tpu.memory_space<vmem>> -> memref<128xf32, #tpu.memory_space<vmem>>
    %dma_wait3A_753 = arith.constant 7552 : i32
    %dma_wait3A_754 = tpu.memref_slice %arg8[%dma_wait3A_753] : memref<8192xi32, #tpu.memory_space<vmem>> -> memref<128xi32, #tpu.memory_space<vmem>>
    %dma_wait3A_755 = arith.constant 0 : i32
    %dma_wait3A_756 = tpu.memref_slice %arg2[%dma_wait3A_755] : memref<65536xf32, #tpu.memory_space<hbm>> -> memref<65536xf32, #tpu.memory_space<hbm>>
    tpu.wait_indirect_dma semaphore(%arg12 : memref<!tpu.dma_semaphore, #tpu.memory_space<semaphore_mem>>) src(%dma_wait3A_756 : memref<65536xf32, #tpu.memory_space<hbm>>) dst(%dma_wait3A_752 : memref<128xf32, #tpu.memory_space<vmem>>)
    %dma_wait3A_757 = arith.constant 7680 : i32
    %dma_wait3A_758 = tpu.memref_slice %arg9[%dma_wait3A_757] : memref<8192xf32, #tpu.memory_space<vmem>> -> memref<128xf32, #tpu.memory_space<vmem>>
    %dma_wait3A_759 = arith.constant 7680 : i32
    %dma_wait3A_760 = tpu.memref_slice %arg8[%dma_wait3A_759] : memref<8192xi32, #tpu.memory_space<vmem>> -> memref<128xi32, #tpu.memory_space<vmem>>
    %dma_wait3A_761 = arith.constant 0 : i32
    %dma_wait3A_762 = tpu.memref_slice %arg2[%dma_wait3A_761] : memref<65536xf32, #tpu.memory_space<hbm>> -> memref<65536xf32, #tpu.memory_space<hbm>>
    tpu.wait_indirect_dma semaphore(%arg12 : memref<!tpu.dma_semaphore, #tpu.memory_space<semaphore_mem>>) src(%dma_wait3A_762 : memref<65536xf32, #tpu.memory_space<hbm>>) dst(%dma_wait3A_758 : memref<128xf32, #tpu.memory_space<vmem>>)
    %dma_wait3A_763 = arith.constant 7808 : i32
    %dma_wait3A_764 = tpu.memref_slice %arg9[%dma_wait3A_763] : memref<8192xf32, #tpu.memory_space<vmem>> -> memref<128xf32, #tpu.memory_space<vmem>>
    %dma_wait3A_765 = arith.constant 7808 : i32
    %dma_wait3A_766 = tpu.memref_slice %arg8[%dma_wait3A_765] : memref<8192xi32, #tpu.memory_space<vmem>> -> memref<128xi32, #tpu.memory_space<vmem>>
    %dma_wait3A_767 = arith.constant 0 : i32
    %dma_wait3A_768 = tpu.memref_slice %arg2[%dma_wait3A_767] : memref<65536xf32, #tpu.memory_space<hbm>> -> memref<65536xf32, #tpu.memory_space<hbm>>
    tpu.wait_indirect_dma semaphore(%arg12 : memref<!tpu.dma_semaphore, #tpu.memory_space<semaphore_mem>>) src(%dma_wait3A_768 : memref<65536xf32, #tpu.memory_space<hbm>>) dst(%dma_wait3A_764 : memref<128xf32, #tpu.memory_space<vmem>>)
    %dma_wait3A_769 = arith.constant 7936 : i32
    %dma_wait3A_770 = tpu.memref_slice %arg9[%dma_wait3A_769] : memref<8192xf32, #tpu.memory_space<vmem>> -> memref<128xf32, #tpu.memory_space<vmem>>
    %dma_wait3A_771 = arith.constant 7936 : i32
    %dma_wait3A_772 = tpu.memref_slice %arg8[%dma_wait3A_771] : memref<8192xi32, #tpu.memory_space<vmem>> -> memref<128xi32, #tpu.memory_space<vmem>>
    %dma_wait3A_773 = arith.constant 0 : i32
    %dma_wait3A_774 = tpu.memref_slice %arg2[%dma_wait3A_773] : memref<65536xf32, #tpu.memory_space<hbm>> -> memref<65536xf32, #tpu.memory_space<hbm>>
    tpu.wait_indirect_dma semaphore(%arg12 : memref<!tpu.dma_semaphore, #tpu.memory_space<semaphore_mem>>) src(%dma_wait3A_774 : memref<65536xf32, #tpu.memory_space<hbm>>) dst(%dma_wait3A_770 : memref<128xf32, #tpu.memory_space<vmem>>)
    %dma_wait3A_775 = arith.constant 8064 : i32
    %dma_wait3A_776 = tpu.memref_slice %arg9[%dma_wait3A_775] : memref<8192xf32, #tpu.memory_space<vmem>> -> memref<128xf32, #tpu.memory_space<vmem>>
    %dma_wait3A_777 = arith.constant 8064 : i32
    %dma_wait3A_778 = tpu.memref_slice %arg8[%dma_wait3A_777] : memref<8192xi32, #tpu.memory_space<vmem>> -> memref<128xi32, #tpu.memory_space<vmem>>
    %dma_wait3A_779 = arith.constant 0 : i32
    %dma_wait3A_780 = tpu.memref_slice %arg2[%dma_wait3A_779] : memref<65536xf32, #tpu.memory_space<hbm>> -> memref<65536xf32, #tpu.memory_space<hbm>>
    tpu.wait_indirect_dma semaphore(%arg12 : memref<!tpu.dma_semaphore, #tpu.memory_space<semaphore_mem>>) src(%dma_wait3A_780 : memref<65536xf32, #tpu.memory_space<hbm>>) dst(%dma_wait3A_776 : memref<128xf32, #tpu.memory_space<vmem>>)
    %broadcast_in_dim3A = arith.constant 0.000000e+00 : f32
    %broadcast_in_dim3A_781 = vector.broadcast %broadcast_in_dim3A : f32 to vector<16xf32>
    %scan3A_782 = arith.constant 0 : i32
    %scan3A_783 = arith.constant 512 : i32
    %scan3A_784 = arith.addi %scan3A_782, %scan3A_783 : i32
    %scan3A_785 = arith.constant 1 : i32
    %scan3A_786 = scf.for %scan3A_795 = %scan3A_782 to %scan3A_784 step %scan3A_785 iter_args(%scan3A_796 = %broadcast_in_dim3A_781) -> (vector<16xf32>)  : i32 {
      %mul3A_797 = arith.constant 16 : i32
      %mul3A_798 = arith.muli %scan3A_795, %mul3A_797 : i32
      %get3A = arith.index_cast %mul3A_798 : i32 to index
      %get3A_799 = tpu.vector_load %arg9[%get3A] {strides = array<i32>} : memref<8192xf32, #tpu.memory_space<vmem>>, vector<16xf32>,
      %get3A_800 = vector.shape_cast %get3A_799 : vector<16xf32> to vector<16xf32>
      %mul3A_801 = arith.constant 16 : i32
      %mul3A_802 = arith.muli %scan3A_795, %mul3A_801 : i32
      %get3A_803 = arith.index_cast %mul3A_802 : i32 to index
      %get3A_804 = tpu.vector_load %arg10[%get3A_803] {strides = array<i32>} : memref<8192xf32, #tpu.memory_space<vmem>>, vector<16xf32>,
      %get3A_805 = vector.shape_cast %get3A_804 : vector<16xf32> to vector<16xf32>
      %sub3A = arith.subf %get3A_800, %get3A_805 : vector<16xf32>
      %mul3A_806 = arith.mulf %sub3A, %sub3A : vector<16xf32>
      %add3A_807 = arith.addf %scan3A_796, %mul3A_806 : vector<16xf32>
      scf.yield %add3A_807 : vector<16xf32>
    }
    %scan3A_787 = arith.constant 512 : i32
    %swap3A = arith.constant 0 : index
    %swap3A_788 = tpu.vector_load %arg11[%swap3A] {strides = array<i32>} : memref<16xf32, #tpu.memory_space<vmem>>, vector<16xf32>,
    %swap3A_789 = vector.shape_cast %swap3A_788 : vector<16xf32> to vector<16xf32>
    %swap3A_790 = vector.shape_cast %scan3A_786 : vector<16xf32> to vector<16xf32>
    tpu.vector_store %arg11[%swap3A], %swap3A_790 {strides = array<i32>} : memref<16xf32, #tpu.memory_space<vmem>>, vector<16xf32>,
    %mul3A_791 = arith.constant 8 : i32
    %mul3A_792 = arith.muli %mul3A_2, %mul3A_791 : i32
    "tpu.region"() ({
      %run_scoped3A = tpu.sem_alloc : memref<!tpu.dma_semaphore, #tpu.memory_space<semaphore_mem>>
      %dma_start3A_795 = tpu.memref_slice %arg5[%mul3A_792] : memref<262144xf32, #tpu.memory_space<hbm>> -> memref<8192xf32, #tpu.memory_space<hbm>>
      %dma_start3A_796 = tpu.memref_slice %arg5[%mul3A_792] : memref<262144xf32, #tpu.memory_space<hbm>> -> memref<8192xf32, #tpu.memory_space<hbm>>
      tpu.enqueue_dma source(%arg9 : memref<8192xf32, #tpu.memory_space<vmem>>) target(%dma_start3A_796 : memref<8192xf32, #tpu.memory_space<hbm>>) target_semaphore(%run_scoped3A : memref<!tpu.dma_semaphore, #tpu.memory_space<semaphore_mem>>)
      %dma_wait3A_797 = tpu.memref_slice %arg5[%mul3A_792] : memref<262144xf32, #tpu.memory_space<hbm>> -> memref<8192xf32, #tpu.memory_space<hbm>>
      %dma_wait3A_798 = tpu.memref_slice %arg5[%mul3A_792] : memref<262144xf32, #tpu.memory_space<hbm>> -> memref<8192xf32, #tpu.memory_space<hbm>>
      tpu.wait_dma2 semaphore(%run_scoped3A : memref<!tpu.dma_semaphore, #tpu.memory_space<semaphore_mem>>) src(%arg9 : memref<8192xf32, #tpu.memory_space<vmem>>) dst(%dma_wait3A_798 : memref<8192xf32, #tpu.memory_space<hbm>>)
      tpu.yield
    }) : () -> ()
    %mul3A_793 = arith.constant 16 : i32
    %mul3A_794 = arith.muli %add3A, %mul3A_793 : i32
    "tpu.region"() ({
      %run_scoped3A = tpu.sem_alloc : memref<!tpu.dma_semaphore, #tpu.memory_space<semaphore_mem>>
      %dma_start3A_795 = tpu.memref_slice %arg6[%mul3A_794] : memref<512xf32, #tpu.memory_space<hbm>> -> memref<16xf32, #tpu.memory_space<hbm>>
      %dma_start3A_796 = tpu.memref_slice %arg6[%mul3A_794] : memref<512xf32, #tpu.memory_space<hbm>> -> memref<16xf32, #tpu.memory_space<hbm>>
      tpu.enqueue_dma source(%arg11 : memref<16xf32, #tpu.memory_space<vmem>>) target(%dma_start3A_796 : memref<16xf32, #tpu.memory_space<hbm>>) target_semaphore(%run_scoped3A : memref<!tpu.dma_semaphore, #tpu.memory_space<semaphore_mem>>)
      %dma_wait3A_797 = tpu.memref_slice %arg6[%mul3A_794] : memref<512xf32, #tpu.memory_space<hbm>> -> memref<16xf32, #tpu.memory_space<hbm>>
      %dma_wait3A_798 = tpu.memref_slice %arg6[%mul3A_794] : memref<512xf32, #tpu.memory_space<hbm>> -> memref<16xf32, #tpu.memory_space<hbm>>
      tpu.wait_dma2 semaphore(%run_scoped3A : memref<!tpu.dma_semaphore, #tpu.memory_space<semaphore_mem>>) src(%arg11 : memref<16xf32, #tpu.memory_space<vmem>>) dst(%dma_wait3A_798 : memref<16xf32, #tpu.memory_space<hbm>>)
      tpu.yield
    }) : () -> ()
    return
  }
}

module attributes {stable_mosaic.version = 14 : i64} {
  func.func @_dist_argmin_body(%arg0: i32, %arg1: memref<1024x128xf32, #tpu.memory_space<vmem>>, %arg2: memref<128x8192xf32, #tpu.memory_space<vmem>>, %arg3: memref<1x1x1024xi32, #tpu.memory_space<vmem>>) attributes {dimension_semantics = [#tpu.dimension_semantics<arbitrary>], iteration_bounds = array<i64: 32>, scalar_prefetch = 0 : i64, scratch_operands = 0 : i64, tpu.core_type = #tpu.core_type<tc>, window_params = [{transform_indices = @transform_0, window_bounds = array<i64: 1024, 128>}, {pipeline_mode = #tpu.pipeline_mode<synchronous>, transform_indices = @transform_1, window_bounds = array<i64: 128, 8192>}, {transform_indices = @transform_2, window_bounds = array<i64: 1, 1, 1024>}]} {
    %get3A = arith.constant 0 : index
    %get3A_0 = arith.constant 0 : index
    %get3A_1 = vector.load %arg1[%get3A, %get3A_0] : memref<1024x128xf32, #tpu.memory_space<vmem>>, vector<1024x128xf32>
    %get3A_2 = arith.constant 0 : index
    %get3A_3 = arith.constant 0 : index
    %get3A_4 = vector.load %arg2[%get3A_2, %get3A_3] : memref<128x8192xf32, #tpu.memory_space<vmem>>, vector<128x8192xf32>
    %mul3A = arith.mulf %get3A_1, %get3A_1 : vector<1024x128xf32>
    %reduce_sum3A = arith.constant dense<0.000000e+00> : vector<1024xf32>
    %reduce_sum3A_5 = vector.multi_reduction <add>, %mul3A, %reduce_sum3A [1] : vector<1024x128xf32> to vector<1024xf32>
    %broadcast_in_dim3A = vector.shape_cast %reduce_sum3A_5 : vector<1024xf32> to vector<1024x1xf32>
    %mul3A_6 = arith.constant 2.500000e-01 : f32
    %mul3A_7 = vector.broadcast %mul3A_6 : f32 to vector<1024x1xf32>
    %mul3A_8 = arith.mulf %broadcast_in_dim3A, %mul3A_7 : vector<1024x1xf32>
    %mul3A_9 = arith.mulf %get3A_4, %get3A_4 : vector<128x8192xf32>
    %reduce_sum3A_10 = arith.constant dense<0.000000e+00> : vector<8192xf32>
    %reduce_sum3A_11 = vector.multi_reduction <add>, %mul3A_9, %reduce_sum3A_10 [0] : vector<128x8192xf32> to vector<8192xf32>
    %broadcast_in_dim3A_12 = vector.shape_cast %reduce_sum3A_11 : vector<8192xf32> to vector<1x8192xf32>
    %dot_general3A = arith.constant dense<0.000000e+00> : vector<1024x8192xf32>
    %dot_general3A_13 = tpu.matmul %get3A_1, %get3A_4, %dot_general3A {dimension_numbers = #tpu.dot_dimension_numbers<[1], [0], [0], [1], [0, 0, 1, 1], [], []>, transpose_lhs_hint = false} : vector<1024x128xf32>, vector<128x8192xf32>, vector<1024x8192xf32> -> vector<1024x8192xf32>
    %add3A = vector.broadcast %mul3A_8 : vector<1024x1xf32> to vector<1024x8192xf32>
    %add3A_14 = vector.broadcast %broadcast_in_dim3A_12 : vector<1x8192xf32> to vector<1024x8192xf32>
    %add3A_15 = arith.addf %add3A, %add3A_14 : vector<1024x8192xf32>
    %sub3A = arith.subf %add3A_15, %dot_general3A_13 : vector<1024x8192xf32>
    %max3A = arith.constant 0.000000e+00 : f32
    %max3A_16 = vector.broadcast %max3A : f32 to vector<1024x8192xf32>
    %max3A_17 = arith.maximumf %sub3A, %max3A_16 : vector<1024x8192xf32>
    %sqrt3A = math.sqrt %max3A_17 : vector<1024x8192xf32>
    %slice3A = vector.extract_strided_slice %sqrt3A {offsets = [0, 0], sizes = [1024, 4096], strides = [1, 1]} : vector<1024x8192xf32> to vector<1024x4096xf32>
    %slice3A_18 = vector.extract_strided_slice %sqrt3A {offsets = [0, 4096], sizes = [1024, 4096], strides = [1, 1]} : vector<1024x8192xf32> to vector<1024x4096xf32>
    %iota3A = tpu.iota {dimensions = array<i32: 1>} : vector<1024x4096xi32>
    %reduce_min3A = arith.constant dense<0x7F800000> : vector<1024xf32>
    %reduce_min3A_19 = vector.multi_reduction <minimumf>, %slice3A, %reduce_min3A [1] : vector<1024x4096xf32> to vector<1024xf32>
    %broadcast_in_dim3A_20 = vector.shape_cast %reduce_min3A_19 : vector<1024xf32> to vector<1024x1xf32>
    %eq3A = vector.broadcast %broadcast_in_dim3A_20 : vector<1024x1xf32> to vector<1024x4096xf32>
    %eq3A_21 = arith.cmpf oeq, %slice3A, %eq3A : vector<1024x4096xf32>
    %jit3A = arith.constant 8192 : i32
    %broadcast_in_dim3A_22 = vector.broadcast %jit3A : i32 to vector<1024x4096xi32>
    %select_n3A = arith.select %eq3A_21, %iota3A, %broadcast_in_dim3A_22 : vector<1024x4096xi1>, vector<1024x4096xi32>
    %reduce_min3A_23 = arith.constant dense<2147483647> : vector<1024xi32>
    %reduce_min3A_24 = vector.multi_reduction <minsi>, %select_n3A, %reduce_min3A_23 [1] : vector<1024x4096xi32> to vector<1024xi32>
    %reduce_min3A_25 = arith.constant dense<0x7F800000> : vector<1024xf32>
    %reduce_min3A_26 = vector.multi_reduction <minimumf>, %slice3A_18, %reduce_min3A_25 [1] : vector<1024x4096xf32> to vector<1024xf32>
    %broadcast_in_dim3A_27 = vector.shape_cast %reduce_min3A_26 : vector<1024xf32> to vector<1024x1xf32>
    %eq3A_28 = vector.broadcast %broadcast_in_dim3A_27 : vector<1024x1xf32> to vector<1024x4096xf32>
    %eq3A_29 = arith.cmpf oeq, %slice3A_18, %eq3A_28 : vector<1024x4096xf32>
    %add3A_30 = arith.constant 4096 : i32
    %add3A_31 = vector.broadcast %add3A_30 : i32 to vector<1024x4096xi32>
    %add3A_32 = arith.addi %iota3A, %add3A_31 : vector<1024x4096xi32>
    %jit3A_33 = arith.constant 8192 : i32
    %broadcast_in_dim3A_34 = vector.broadcast %jit3A_33 : i32 to vector<1024x4096xi32>
    %select_n3A_35 = arith.select %eq3A_29, %add3A_32, %broadcast_in_dim3A_34 : vector<1024x4096xi1>, vector<1024x4096xi32>
    %reduce_min3A_36 = arith.constant dense<2147483647> : vector<1024xi32>
    %reduce_min3A_37 = vector.multi_reduction <minsi>, %select_n3A_35, %reduce_min3A_36 [1] : vector<1024x4096xi32> to vector<1024xi32>
    %convert_element_type3A = arith.truncf %broadcast_in_dim3A_20 : vector<1024x1xf32> to vector<1024x1xbf16>
    %convert_element_type3A_38 = arith.extf %convert_element_type3A : vector<1024x1xbf16> to vector<1024x1xf32>
    %squeeze3A = vector.shape_cast %broadcast_in_dim3A_27 : vector<1024x1xf32> to vector<1024xf32>
    %squeeze3A_39 = vector.shape_cast %convert_element_type3A_38 : vector<1024x1xf32> to vector<1024xf32>
    %lt3A = arith.cmpf olt, %squeeze3A, %squeeze3A_39 : vector<1024xf32>
    %select_n3A_40 = arith.select %lt3A, %reduce_min3A_37, %reduce_min3A_24 : vector<1024xi1>, vector<1024xi32>
    %swap3A = arith.constant 0 : index
    %swap3A_41 = arith.constant 0 : index
    %swap3A_42 = arith.constant 0 : index
    %swap3A_43 = vector.load %arg3[%swap3A, %swap3A_41, %swap3A_42] : memref<1x1x1024xi32, #tpu.memory_space<vmem>>, vector<1x1x1024xi32>
    %swap3A_44 = vector.shape_cast %swap3A_43 : vector<1x1x1024xi32> to vector<1024xi32>
    %swap3A_45 = vector.shape_cast %select_n3A_40 : vector<1024xi32> to vector<1x1x1024xi32>
    tpu.vector_store %arg3[%swap3A, %swap3A_41, %swap3A_42], %swap3A_45 {strides = array<i32>} : memref<1x1x1024xi32, #tpu.memory_space<vmem>>, vector<1x1x1024xi32>,
    return
  }
  func.func @transform_0(%arg0: i32) -> (i32, i32) {
    %c0_i32 = arith.constant 0 : i32
    %c0_i32_0 = arith.constant 0 : i32
    return %arg0, %c0_i32 : i32, i32
  }
  func.func @transform_1(%arg0: i32) -> (i32, i32) {
    %c0_i32 = arith.constant 0 : i32
    %c0_i32_0 = arith.constant 0 : i32
    %c0_i32_1 = arith.constant 0 : i32
    return %c0_i32, %c0_i32_0 : i32, i32
  }
  func.func @transform_2(%arg0: i32) -> (i32, i32, i32) {
    %c0_i32 = arith.constant 0 : i32
    %c0_i32_0 = arith.constant 0 : i32
    %c0_i32_1 = arith.constant 0 : i32
    return %arg0, %c0_i32, %c0_i32_0 : i32, i32, i32
  }
}

</mosaic_0001>

<sc_bundles>
// kernel: kernel.4.cloned.1.call-start
scs
__scs_entry_jumppad:
0x0: {  	(pc) =	sbr.rel $0x88, $3  }
0x1: {  	(tag) =	ssettag $0x0;
	lr =	simm.s32 $0x1  }
0x2: {  	[smem:$0x3F9F] =	sst lr;
	_ =	strace $0xD0000000  }
0x3: {  	_ = 	snop  }
0x4: {  	_ = 	snop  }
0x5: {  	_ = 	snop  }
0x6: {  	_ = 	snop  }
0x7: {  	_ = 	snop  }
__scs_overlays_trampoline_lowered:
0x8: {  	[smem:$0x3FAE] =	sst s0  }
0x9: {  	[smem:$0x3FAF] =	sst s1  }
0xa: {  	[smem:$0x3FB0] =	sst s2  }
0xb: {  	[smem:$0x3FB1] =	sst s3  }
0xc: {  	[smem:$0x3FB2] =	sst s4  }
0xd: {  	[smem:$0x3FB3] =	sst s5  }
0xe: {  	[smem:$0x3FB4] =	sst s6  }
0xf: {  	[smem:$0x3FB5] =	sst s7  }
0x10: {  	[smem:$0x3FB6] =	sst s8  }
0x11: {  	[smem:$0x3FB7] =	sst s9;
	s0 =	simm.s32 @!p0 $0x0  }
0x12: {  	s1 =	sld [smem:$0x3F9D];
	s0 =	simm.s32 @p0 $0x1  }
0x13: {  	[smem:$0x3FB8] =	sst s0;
	s0 =	simm.s32 @!p1 $0x0  }
0x14: {  	s2 =	sld [smem:$0x3F9C];
	s0 =	simm.s32 @p1 $0x1  }
0x15: {  	[smem:$0x3FB9] =	sst s0;
	s0 =	simm.s32 @!p2 $0x0  }
0x16: {  	s3 =	sld [smem:$0x3FDB];
	s0 =	simm.s32 @p2 $0x1  }
0x17: {  	s4 =	simm.s32 $0x1BF5;
	[smem:$0x3FBB] =	sst s0  }
0x18: {  	s0 =	sld [smem:$0x3F9E];
	_ =	swait.ge [sflag:s4], $0x0  }
0x19: {  	s7 =	sld [smem:$0x3F9F]  }
0x1a: {  	s8 =	sadd.s32 $0xFFFFE003, lr  }
0x1b: {  	s9 =	sadd.s32 $0xFFFFFEF7, lr;
	s5 =	simm.s32 $0xFFFFFFFF;
	p2 =	slt.u32 s8, $0xFFFFF086  }
0x1c: {  	p1 =	slt.u32 s9, $0xF7A;
	s5 =	simm.s32 @!p2 $0x0  }
0x1d: {  	s5 =	simm.s32 @p1 $0x1;
	p0 =	seq.s32 s7, s2  }
0x1e: {  	s7 =	smul.u32 @!p0 $0xF7A, s2;
	p2 =	seq.s32 @!p0 s5, $0x0  }
0x1f: {  	s9 =	smul.u32 $0xF7A, s1;
	s8 =	simm.s32 @!p0 $0x1BF5;
	p2 =	por !p2, p0  }
0x20: {  	[sflag:s8] =	ssyncset.s32 @!p0 $0xFFFFF086;
	s6 =	sadd.s32 @!p0 s3, s7;
	s7 =	simm.s32 @!p0 $0x108  }
0x21: {  	s3 =	sadd.s32 s3, s9;
	s6 =	sadd.s32 @!p0 $0x88, s6;
	s7 =	simm.s32 @p2 $0x1082  }
0x22: {  	[simem:s7], [sflag:s8] =	dma.local @!p0 [hbm:s6], $0xF7A  }
0x23: {  	s9 =	sor.u32 $0xD0000000, s2;
	s6 =	simm.s32 $0x108;
	_ =	swait.ge @!p0 [sflag:s8], $0x0  }
0x24: {  	s3 =	sadd.s32 $0x88, s3;
	s6 =	simm.s32 @!p1 $0x1082;
	[sflag:s4] =	ssyncset.s32 $0xFFFFF086  }
0x25: {  	[simem:s6], [sflag:s4] =	dma.local [hbm:s3], $0xF7A  }
0x26: {  	[smem:$0x3F9F] =	sst s1;
	(tag) =	ssettag s2;
	_ =	strace s9  }
0x27: {  	s1 =	sld [smem:$0x3FAF]  }
0x28: {  	s2 =	sld [smem:$0x3FB0]  }
0x29: {  	s4 =	sld [smem:$0x3FB2]  }
0x2a: {  	p0 =	seq.s32 s5, $0x0;
	s5 =	sld [smem:$0x3FB3]  }
0x2b: {  	s6 =	sld [smem:$0x3FB4]  }
0x2c: {  	s7 =	sld [smem:$0x3FB5]  }
0x2d: {  	s3 =	simm.s32 $0x108;
	s8 =	sld [smem:$0x3FB6]  }
0x2e: {  	s3 =	simm.s32 @!p0 $0x1082;
	s9 =	sld [smem:$0x3FB7]  }
0x2f: {  	lr =	sadd.s32 s0, s3;
	s0 =	sld [smem:$0x3FAE]  }
0x30: {  	s3 =	sld [smem:$0x3FB1]  }
0x31: {  	[smem:$0x3FBA] =	sst s10  }
0x32: {  	s10 =	sld [smem:$0x3FB8];
	_ =	sdelay $0x3  }
0x33: {  	p0 =	seq.s32 s10, $0x1;
	s10 =	sld [smem:$0x3FBA];
	_ =	sdelay $0x3  }
0x34: {  	[smem:$0x3FBA] =	sst s10  }
0x35: {  	s10 =	sld [smem:$0x3FB9];
	_ =	sdelay $0x3  }
0x36: {  	p1 =	seq.s32 s10, $0x1;
	s10 =	sld [smem:$0x3FBA];
	_ =	sdelay $0x3  }
0x37: {  	[smem:$0x3FBA] =	sst s10  }
0x38: {  	s10 =	sld [smem:$0x3FBB]  }
0x39: {  	_ = 	snop;
	(pc) =	sbr.ind lr, $3  }
0x3a: {  	_ = 	snop  }
0x3b: {  	_ = 	snop  }
0x3c: {  	p2 =	seq.s32 s10, $0x1;
	s10 =	sld [smem:$0x3FBA]  }
0x3d: {  	_ =	shalt  }
0x3e: {  	_ =	shalt  }
0x3f: {  	_ =	shalt  }
0x40: {  	_ =	shalt  }
0x41: {  	_ =	shalt  }
0x42: {  	_ =	shalt  }
0x43: {  	_ =	shalt  }
0x44: {  	_ =	shalt  }
0x45: {  	_ =	shalt  }
0x46: {  	_ =	shalt  }
0x47: {  	_ =	shalt  }
0x48: {  	_ =	shalt  }
0x49: {  	_ =	shalt  }
0x4a: {  	_ =	shalt  }
0x4b: {  	_ =	shalt  }
0x4c: {  	_ =	shalt  }
0x4d: {  	_ =	shalt  }
0x4e: {  	_ =	shalt  }
0x4f: {  	_ =	shalt  }
0x50: {  	_ =	shalt  }
0x51: {  	_ =	shalt  }
0x52: {  	_ =	shalt  }
0x53: {  	_ =	shalt  }
0x54: {  	_ =	shalt  }
0x55: {  	_ =	shalt  }
0x56: {  	_ =	shalt  }
0x57: {  	_ =	shalt  }
0x58: {  	_ =	shalt  }
0x59: {  	_ =	shalt  }
0x5a: {  	_ =	shalt  }
0x5b: {  	_ =	shalt  }
0x5c: {  	_ =	shalt  }
0x5d: {  	_ =	shalt  }
0x5e: {  	_ =	shalt  }
0x5f: {  	_ =	shalt  }
0x60: {  	_ =	shalt  }
0x61: {  	_ =	shalt  }
0x62: {  	_ =	shalt  }
0x63: {  	_ =	shalt  }
0x64: {  	_ =	shalt  }
0x65: {  	_ =	shalt  }
0x66: {  	_ =	shalt  }
0x67: {  	_ =	shalt  }
0x68: {  	_ =	shalt  }
0x69: {  	_ =	shalt  }
0x6a: {  	_ =	shalt  }
0x6b: {  	_ =	shalt  }
0x6c: {  	_ =	shalt  }
0x6d: {  	_ =	shalt  }
0x6e: {  	_ =	shalt  }
0x6f: {  	_ =	shalt  }
0x70: {  	_ =	shalt  }
0x71: {  	_ =	shalt  }
0x72: {  	_ =	shalt  }
0x73: {  	_ =	shalt  }
0x74: {  	_ =	shalt  }
0x75: {  	_ =	shalt  }
0x76: {  	_ =	shalt  }
0x77: {  	_ =	shalt  }
0x78: {  	_ =	shalt  }
0x79: {  	_ =	shalt  }
0x7a: {  	_ =	shalt  }
0x7b: {  	_ =	shalt  }
0x7c: {  	_ =	shalt  }
0x7d: {  	_ =	shalt  }
0x7e: {  	_ =	shalt  }
0x7f: {  	_ =	shalt  }
0x80: {  	_ =	shalt  }
0x81: {  	_ =	shalt  }
0x82: {  	_ =	shalt  }
0x83: {  	_ =	shalt  }
0x84: {  	_ =	shalt  }
0x85: {  	_ =	shalt  }
0x86: {  	_ =	shalt  }
0x87: {  	_ =	shalt  }
.Lfunc_end0:
.L_simem_size_0:
called_computation_lowered:
.L_overlay_start_0:
0x88: {  	s2 =	sld [smem:$0x3FD9]  }
0x89: {  	s3 =	sld [smem:$0x3FFE];
	_ =	sdelay $0x1  }
0x8a: {  	s1 =	srdreg.scid  }
0x8b: {  	s0 =	sand.u32 $0x1, s1  }
0x8c: {  	s14 =	sshll.u32 s0, $0xA;
	s2 =	sadd.s32 s3, s2  }
0x8d: {  	s2 =	sadd.s32 s2, s14  }
0x8e: {  	[smem:$0x3FC6] =	sst s2  }
0x8f: {  	_ = 	snop  }
0x90: {  	s2 =	sld [smem:$0x3FD0];
	_ =	sdelay $0x2  }
0x91: {  	s15 =	simm.s32 $0xA;
	s4 =	simm.s32 $0x10  }
0x92: {  	[smem:s4], [sflag:s15] =	dma.local [hbm:s2], $0x1  }
0x93: {  	_ =	swait.eq [sflag:s15], $0x1  }
0x94: {  	[sflag:s15] =	ssyncset.done $0x0  }
0x95: {  	s16 =	sld [smem:$0x10];
	[sflag:s15] =	ssyncadd.s32 $0xFFFFFFFF  }
0x96: {  	s17 =	sld [smem:$0x12];
	(tm) =	ssettm $0x1  }
0x97: {  	s18 =	sld [smem:$0x3FFB];
	_ =	sdelay $0x3  }
0x98: {  	_ =	strace s18  }
0x99: {  	s4 =	sld [smem:$0x3FFC];
	_ =	sdelay $0x3  }
0x9a: {  	_ =	strace s4  }
0x9b: {  	s4 =	sld [smem:$0x3FFD];
	_ =	sdelay $0x3  }
0x9c: {  	_ =	strace s4  }
0x9d: {  	_ =	strace $0x8FFFFFFF  }
0x9e: {  	s19 =	sld [smem:$0x3FDB];
	_ =	sdelay $0x1  }
0x9f: {  	s5 =	simm.s32 $_scs_section_size  }
0xa0: {  	s6 =	simm.s32 $_size__tile_overlayer_lowered;
	s7 =	simm.s32 $_tile_overlayer_lowered  }
0xa1: {  	s22 =	simm.s32 $0x1BFF;
	s21 =	sshll.u32 s7, $0x1;
	s4 =	sadd.s32 s5, s19  }
0xa2: {  	s8 =	simm.s32 $0x0;
	s20 =	sshll.u32 s6, $0x1;
	s6 =	sadd.s32 s21, s4  }
0xa3: {  	[timem:s8], [sflag:s22] =	dma.local [hbm:s6], s20  }
0xa4: {  	_ =	swait.ge [sflag:s22], s20  }
0xa5: {  	s5 =	ssub.s32 $0x0, s20;
	[sflag:s22] =	ssyncset.done $0x0  }
0xa6: {  	[sflag:s22] =	ssyncadd.s32 s5;
	_ =	sdelay $0x1  }
0xa7: {  	s23 =	simm.s32 $0x1B8B  }
0xa8: {  	_ =	swait.ge [sflag:s23], $0x1  }
0xa9: {  	[sflag:s23] =	ssyncset.done $0x0  }
0xaa: {  	s25 =	simm.s32 $0x1B8E;
	s24 =	sld [smem:$0x3FFE];
	[sflag:s23] =	ssyncadd.s32 $0xFFFFFFFF  }
0xab: {  	s26 =	simm.s32 $execute0_lowered;
	[smem:$0x3FD2] =	sst s25  }
0xac: {  	s6 =	sshll.u32 s26, $0x1;
	_ =	strace $0x80000046;
	[dreg:$0x1] =	wrdreg $0xFFFFFFFF  }
0xad: {  	s28 =	simm.s32 $_size_execute0_lowered;
	s4 =	sadd.s32 s4, s6;
	[dreg:$0x0] =	wrdreg $0x0  }
0xae: {  	s6 =	sshll.u32 s28, $0x1;
	[dreg:$0x2] =	wrdreg s4  }
0xaf: {  	[dreg:$0x3] =	wrdreg s6  }
0xb0: {  	[dreg:$0x4] =	wrdreg $0xC0  }
0xb1: {  	_ =	task [dreg:s8], $0x5FFFF  }
0xb2: {  	[dreg:$0x1] =	wrdreg $0xFFFFFFFF  }
0xb3: {  	[dreg:$0x0] =	wrdreg $0x60  }
0xb4: {  	[dreg:$0x2] =	wrdreg s24  }
0xb5: {  	[dreg:$0x3] =	wrdreg s17  }
0xb6: {  	[dreg:$0x4] =	wrdreg s16  }
0xb7: {  	[dreg:$0x5] =	wrdreg $0x9  }
0xb8: {  	_ =	task.clear_ibuf [dreg:s8], $0x6FFFF;
	_ =	strace $0x90000046  }
0xb9: {  	s29 =	simm.s32 $0x9;
	_ =	strace $0x80000048  }
0xba: {  	_ =	swait.ge [sflag:s29], $0x1  }
0xbb: {  	[sflag:s29] =	ssyncadd.s32 $0xFFFFFFFF  }
0xbc: {  	_ =	strace $0x90000048  }
0xbd: {  	_ =	sfence  }
0xbe: {  	s30 =	sld [smem:$0x0];
	_ =	sdelay $0x2  }
0xbf: {  	s31 =	sshll.u32 s1, $0xD;
	s1 =	sshrl.u32 s1, $0x2  }
0xc0: {  	s3 =	sand.u32 $0x4000, s31;
	s1 =	sadd.s32 s1, s30  }
0xc1: {  	s0 =	sor.u32 s3, s0;
	s1 =	sshll.u32 s1, $0x11  }
0xc2: {  	s0 =	sor.u32 s1, s0  }
0xc3: {  	s0 =	sadd.s32 $0x8F2B, s0  }
0xc4: {  	[sflag:s0] =	ssyncadd.remote.s32 $0x1  }
0xc5: {  	_ =	sfence.sel $0xFFFF  }
0xc6: {  	[dreg:$0x0] =	wrdreg $0xFFFFFFFF;
	(pc) =	sbr.abs _section_cstart, $3  }
0xc7: {  	[dreg:$0x1] =	wrdreg $0xFFFFFFFF  }
0xc8: {  	_ =	task.clear_ibuf [dreg:s8], $0x2FFFF;
	_ =	strace $0x9FFFFFFF  }
0xc9: {  	(tm) =	ssettm $0x7FFFFFFF  }
tec
execute0_lowered:
.L_overlay_start_1:
0x0: {  	(tag) =	ssettag $0x1  }
0x1: {  	s0 =	rddreg [dreg:$0x0]  }
0x2: {  	s1 =	rddreg [dreg:$0x1]  }
0x3: {  	s5 =	rddreg [dreg:$0x2];
	s3 =	srdreg.scid  }
0x4: {  	s6 =	stileid.u32;
	s2 =	simm.s32 $0x0;
	s11 =	simm.s32 $0x80  }
0x5: {  	s13 =	simm.s32 $0x2400;
	s20 =	simm.s32 $0x4000;
	s21 =	simm.s32 $0x2080  }
0x6: {  	s22 =	simm.s32 $0x4080;
	s23 =	simm.s32 $0x2100;
	s24 =	simm.s32 $0x4100  }
0x7: {  	s28 =	simm.s32 $0x2200;
	s29 =	simm.s32 $0x4200;
	s30 =	simm.s32 $0x2280  }
0x8: {  	s31 =	simm.s32 $0x4280;
	s12 =	simm.s32 $0x4380;
	s14 =	simm.s32 $0x1  }
0x9: {  	s15 =	simm.s32 $0x6400;
	s16 =	simm.s32 $0x0;
	s4 =	sand.u32 $0x1, s3  }
0xa: {  	s25 =	sshll.u32 s6, $0x1;
	[smem:$0x7FF] =	sst s2;
	s3 =	sadd.s32 $0x800, s0  }
0xb: {  	s6 =	sor.u32 s4, s25;
	_ =	strace $0x80000047;
	s4 =	ssub.s32 $0x2, s4  }
0xc: {  	s25 =	simm.s32 $0x2180;
	s7 =	sshll.u32 s6, $0xA;
	s9 =	sshll.u32 s6, $0x1  }
0xd: {  	v1 =	vlaneseq.u32;
	s10 =	sshrl.u32 s4, $0x1;
	s6 =	sshll.u32 s6, $0x7;
	s8 =	sadd.s32 s7, s0  }
0xe: {  	v0 =	vshrl.u32 v1, $0x3;
	s0 =	sadd.s32 s9, s0;
	s26 =	ssub.s32 s4, s10;
	s4 =	sadd.s32 s1, s6  }
0xf: {  	v1 =	vand.u32 $0x7, v1;
	v2 =	vor.u32 $0x2, v0;
	s5 =	sadd.s32 s5, s7;
	s9 =	simm.s32 $0x2;
	s1 =	simm.s32 $0x4300  }
0x10: {  	v3 =	vor.u32 $0x4, v0;
	v4 =	vor.u32 $0x6, v0;
	v5 =	vor.u32 $0x8, v0;
	s10 =	simm.s32 $0x2380;
	s6 =	sadd.s32 $0x2800, s8;
	s7 =	sadd.s32 $0xA800, s0  }
0x11: {  	v6 =	vor.u32 $0xA, v0;
	v7 =	vor.u32 $0xC, v0;
	v8 =	vor.u32 $0xE, v0;
	s8 =	smax.u32 s26, $0x1;
	s26 =	simm.s32 $0x4180;
	s0 =	simm.s32 $0x2300  }
.LBB2_1:
0x12: {  	[tilespmem:s2], [sflag:$0x2] =	stream.linear.gather [hbm4b:s4+s2], $0x400, $0x38;
	[tilespmem:$0x6480] =	vst v63  }
0x13: {  	_ =	swait.ge [sflag:s9], $0x400  }
0x14: {  	[sflag:s9] =	ssyncset.done $0x0  }
0x15: {  	s17 =	simm.s32 $0x4400;
	[sflag:s9] =	ssyncadd.s32 $0xFFFFFC00  }
0x16: {  	[tilespmem:s17], [sflag:$0x2] =	stream.linear.gather [hbm4b:s5+s2], $0x2000, $0x38;
	[tilespmem:$0x6480] =	vst v63  }
0x17: {  	_ =	swait.ge [sflag:s9], $0x2000  }
0x18: {  	[sflag:s9] =	ssyncset.done $0x0  }
0x19: {  	s19 =	simm.s32 $0x0;
	[sflag:s9] =	ssyncadd.s32 $0xFFFFE000  }
0x1a: {  	v9 =	vld [tilespmem:s19+$0x0];
	_ =	sdelay $0x4  }
0x1b: {  	v10 =	vperm.xlane v9, v0  }
0x1c: {  	v11 =	vperm.xlane v9, v2  }
0x1d: {  	v12 =	vperm.xlane v9, v3;
	v10 =	vshll.u32 v10, $0x3  }
0x1e: {  	s17 =	simm.s32 $0x440;
	v14 =	vperm.xlane v9, v5;
	v11 =	vshll.u32 v11, $0x3;
	v10 =	vor.u32 v1, v10  }
0x1f: {  	v13 =	vperm.xlane v9, v4;
	v12 =	vshll.u32 v12, $0x3;
	v11 =	vor.u32 v1, v11;
	[tilespmem:s17+$0xFFFFFFC0] =	vst v10  }
0x20: {  	v63 =	vshll.u32 v14, $0x3;
	v10 =	vor.u32 v1, v12;
	[tilespmem:s17+$0xFFFFFFD0] =	vst v11;
	v11 =	vperm.xlane v9, v6  }
0x21: {  	v62 =	vshll.u32 v13, $0x3;
	v13 =	vor.u32 v1, v63;
	[tilespmem:s17+$0xFFFFFFE0] =	vst v10;
	v10 =	vperm.xlane v9, v7  }
0x22: {  	v12 =	vor.u32 v1, v62;
	[tilespmem:s17+$0x0] =	vst v13;
	v9 =	vperm.xlane v9, v8;
	v11 =	vshll.u32 v11, $0x3  }
0x23: {  	[tilespmem:s17+$0xFFFFFFF0] =	vst v12;
	v11 =	vor.u32 v1, v11;
	v10 =	vshll.u32 v10, $0x3  }
0x24: {  	v9 =	vshll.u32 v9, $0x3;
	[tilespmem:s17+$0x10] =	vst v11;
	v10 =	vor.u32 v1, v10  }
0x25: {  	v9 =	vor.u32 v1, v9;
	[tilespmem:s17+$0x20] =	vst v10  }
0x26: {  	s18 =	simm.s32 $0x80;
	s19 =	simm.s32 $0x10;
	[tilespmem:s17+$0x30] =	vst v9  }
.LBB2_2:
0x27: {  	p0 =	sne.s32 s18, $0xFC0;
	v9 =	vld [tilespmem:s19+$0x0];
	_ =	sdelay $0x4  }
0x28: {  	v10 =	vperm.xlane v9, v0;
	v11 =	vperm.xlane v9, v2  }
0x29: {  	v12 =	vperm.xlane v9, v3;
	v13 =	vperm.xlane v9, v4  }
0x2a: {  	v14 =	vperm.xlane v9, v5;
	v10 =	vshll.u32 v10, $0x3;
	v11 =	vshll.u32 v11, $0x3  }
0x2b: {  	s17 =	sadd.s32 $0x80, s17;
	v12 =	vshll.u32 v12, $0x3;
	v10 =	vor.u32 v1, v10;
	v11 =	vor.u32 v1, v11  }
0x2c: {  	[tilespmem:s17+$0xFFFFFFC0] =	vst v10;
	v10 =	vor.u32 v1, v12;
	v12 =	vshll.u32 v13, $0x3;
	v13 =	vshll.u32 v14, $0x3  }
0x2d: {  	[tilespmem:s17+$0xFFFFFFD0] =	vst v11;
	v11 =	vor.u32 v1, v12;
	v12 =	vor.u32 v1, v13;
	v13 =	vperm.xlane v9, v6  }
0x2e: {  	[tilespmem:s17+$0xFFFFFFE0] =	vst v10;
	v10 =	vperm.xlane v9, v7;
	v9 =	vperm.xlane v9, v8  }
.Ltmp0:
0x2f: {  	[tilespmem:s17+$0xFFFFFFF0] =	vst v11;
	v11 =	vshll.u32 v13, $0x3;
	(pc) =	sbr.rel @p0 .LBB2_2-.Ltmp0, $4  }
0x30: {  	[tilespmem:s17+$0x0] =	vst v12;
	v11 =	vor.u32 v1, v11;
	v10 =	vshll.u32 v10, $0x3;
	v9 =	vshll.u32 v9, $0x3  }
0x31: {  	[tilespmem:s17+$0x10] =	vst v11;
	v10 =	vor.u32 v1, v10;
	v9 =	vor.u32 v1, v9  }
0x32: {  	[tilespmem:s17+$0x20] =	vst v10  }
0x33: {  	s19 =	sshra.s32 s18, $0x2;
	s18 =	sadd.s32 $0x40, s18;
	[tilespmem:s17+$0x30] =	vst v9  }
0x34: {  	v9 =	vld [tilespmem:s19+$0x0];
	_ =	sdelay $0x4  }
0x35: {  	v10 =	vperm.xlane v9, v0  }
0x36: {  	v11 =	vperm.xlane v9, v2  }
0x37: {  	v12 =	vperm.xlane v9, v3;
	v10 =	vshll.u32 v10, $0x3  }
0x38: {  	s17 =	sadd.s32 $0x80, s17;
	v14 =	vperm.xlane v9, v5;
	v11 =	vshll.u32 v11, $0x3;
	v10 =	vor.u32 v1, v10  }
0x39: {  	v13 =	vperm.xlane v9, v4;
	v12 =	vshll.u32 v12, $0x3;
	v11 =	vor.u32 v1, v11;
	[tilespmem:s17+$0xFFFFFFC0] =	vst v10  }
0x3a: {  	v63 =	vshll.u32 v14, $0x3;
	v10 =	vor.u32 v1, v12;
	[tilespmem:s17+$0xFFFFFFD0] =	vst v11;
	v11 =	vperm.xlane v9, v6  }
0x3b: {  	v62 =	vshll.u32 v13, $0x3;
	v13 =	vor.u32 v1, v63;
	[tilespmem:s17+$0xFFFFFFE0] =	vst v10;
	v10 =	vperm.xlane v9, v7  }
0x3c: {  	v12 =	vor.u32 v1, v62;
	[tilespmem:s17+$0x0] =	vst v13;
	v9 =	vperm.xlane v9, v8;
	v11 =	vshll.u32 v11, $0x3  }
0x3d: {  	[tilespmem:s17+$0xFFFFFFF0] =	vst v12;
	v11 =	vor.u32 v1, v11;
	v10 =	vshll.u32 v10, $0x3  }
0x3e: {  	v9 =	vshll.u32 v9, $0x3;
	[tilespmem:s17+$0x10] =	vst v11;
	v10 =	vor.u32 v1, v10  }
0x3f: {  	v9 =	vor.u32 v1, v9;
	[tilespmem:s17+$0x20] =	vst v10  }
0x40: {  	s18 =	simm.s32 $0x400;
	[tilespmem:s17+$0x30] =	vst v9  }
0x41: {  	[tilespmem:s13], [sflag:$0x1] =	stream.indirect.gather [hbm4b:s3+s11], $0x1, s18, s11, $0xb8;
	[tilespmem:$0x6480] =	vst v63  }
0x42: {  	s19 =	simm.s32 $0x480;
	s18 =	simm.s32 $0x2480  }
0x43: {  	[tilespmem:s18], [sflag:$0x1] =	stream.indirect.gather [hbm4b:s3+s11], $0x1, s19, s11, $0xb8;
	[tilespmem:$0x6480] =	vst v63  }
0x44: {  	s18 =	simm.s32 $0x500;
	s19 =	simm.s32 $0x2500  }
0x45: {  	[tilespmem:s19], [sflag:$0x1] =	stream.indirect.gather [hbm4b:s3+s11], $0x1, s18, s11, $0xb8;
	[tilespmem:$0x6480] =	vst v63  }
0x46: {  	s18 =	simm.s32 $0x580;
	s19 =	simm.s32 $0x2580  }
0x47: {  	[tilespmem:s19], [sflag:$0x1] =	stream.indirect.gather [hbm4b:s3+s11], $0x1, s18, s11, $0xb8;
	[tilespmem:$0x6480] =	vst v63  }
0x48: {  	s18 =	simm.s32 $0x600;
	s19 =	simm.s32 $0x2600  }
0x49: {  	[tilespmem:s19], [sflag:$0x1] =	stream.indirect.gather [hbm4b:s3+s11], $0x1, s18, s11, $0xb8;
	[tilespmem:$0x6480] =	vst v63  }
0x4a: {  	s18 =	simm.s32 $0x680;
	s19 =	simm.s32 $0x2680  }
0x4b: {  	[tilespmem:s19], [sflag:$0x1] =	stream.indirect.gather [hbm4b:s3+s11], $0x1, s18, s11, $0xb8;
	[tilespmem:$0x6480] =	vst v63  }
0x4c: {  	s18 =	simm.s32 $0x700;
	s19 =	simm.s32 $0x2700  }
0x4d: {  	[tilespmem:s19], [sflag:$0x1] =	stream.indirect.gather [hbm4b:s3+s11], $0x1, s18, s11, $0xb8;
	[tilespmem:$0x6480] =	vst v63  }
0x4e: {  	s18 =	simm.s32 $0x780;
	s19 =	simm.s32 $0x2780  }
0x4f: {  	[tilespmem:s19], [sflag:$0x1] =	stream.indirect.gather [hbm4b:s3+s11], $0x1, s18, s11, $0xb8;
	[tilespmem:$0x6480] =	vst v63  }
0x50: {  	s18 =	simm.s32 $0x800;
	s19 =	simm.s32 $0x2800  }
0x51: {  	[tilespmem:s19], [sflag:$0x1] =	stream.indirect.gather [hbm4b:s3+s11], $0x1, s18, s11, $0xb8;
	[tilespmem:$0x6480] =	vst v63  }
0x52: {  	s18 =	simm.s32 $0x880;
	s19 =	simm.s32 $0x2880  }
0x53: {  	[tilespmem:s19], [sflag:$0x1] =	stream.indirect.gather [hbm4b:s3+s11], $0x1, s18, s11, $0xb8;
	[tilespmem:$0x6480] =	vst v63  }
0x54: {  	s18 =	simm.s32 $0x900;
	s19 =	simm.s32 $0x2900  }
0x55: {  	[tilespmem:s19], [sflag:$0x1] =	stream.indirect.gather [hbm4b:s3+s11], $0x1, s18, s11, $0xb8;
	[tilespmem:$0x6480] =	vst v63  }
0x56: {  	s18 =	simm.s32 $0x980;
	s19 =	simm.s32 $0x2980  }
0x57: {  	[tilespmem:s19], [sflag:$0x1] =	stream.indirect.gather [hbm4b:s3+s11], $0x1, s18, s11, $0xb8;
	[tilespmem:$0x6480] =	vst v63  }
0x58: {  	s18 =	simm.s32 $0xA00;
	s19 =	simm.s32 $0x2A00  }
0x59: {  	[tilespmem:s19], [sflag:$0x1] =	stream.indirect.gather [hbm4b:s3+s11], $0x1, s18, s11, $0xb8;
	[tilespmem:$0x6480] =	vst v63  }
0x5a: {  	s18 =	simm.s32 $0xA80;
	s19 =	simm.s32 $0x2A80  }
0x5b: {  	[tilespmem:s19], [sflag:$0x1] =	stream.indirect.gather [hbm4b:s3+s11], $0x1, s18, s11, $0xb8;
	[tilespmem:$0x6480] =	vst v63  }
0x5c: {  	s18 =	simm.s32 $0xB00;
	s19 =	simm.s32 $0x2B00  }
0x5d: {  	[tilespmem:s19], [sflag:$0x1] =	stream.indirect.gather [hbm4b:s3+s11], $0x1, s18, s11, $0xb8;
	[tilespmem:$0x6480] =	vst v63  }
0x5e: {  	s18 =	simm.s32 $0xB80;
	s19 =	simm.s32 $0x2B80  }
0x5f: {  	[tilespmem:s19], [sflag:$0x1] =	stream.indirect.gather [hbm4b:s3+s11], $0x1, s18, s11, $0xb8;
	[tilespmem:$0x6480] =	vst v63  }
0x60: {  	s18 =	simm.s32 $0xC00;
	s19 =	simm.s32 $0x2C00  }
0x61: {  	[tilespmem:s19], [sflag:$0x1] =	stream.indirect.gather [hbm4b:s3+s11], $0x1, s18, s11, $0xb8;
	[tilespmem:$0x6480] =	vst v63  }
0x62: {  	s18 =	simm.s32 $0xC80;
	s19 =	simm.s32 $0x2C80  }
0x63: {  	[tilespmem:s19], [sflag:$0x1] =	stream.indirect.gather [hbm4b:s3+s11], $0x1, s18, s11, $0xb8;
	[tilespmem:$0x6480] =	vst v63  }
0x64: {  	s18 =	simm.s32 $0xD00;
	s19 =	simm.s32 $0x2D00  }
0x65: {  	[tilespmem:s19], [sflag:$0x1] =	stream.indirect.gather [hbm4b:s3+s11], $0x1, s18, s11, $0xb8;
	[tilespmem:$0x6480] =	vst v63  }
0x66: {  	s18 =	simm.s32 $0xD80;
	s19 =	simm.s32 $0x2D80  }
0x67: {  	[tilespmem:s19], [sflag:$0x1] =	stream.indirect.gather [hbm4b:s3+s11], $0x1, s18, s11, $0xb8;
	[tilespmem:$0x6480] =	vst v63  }
0x68: {  	s18 =	simm.s32 $0xE00;
	s19 =	simm.s32 $0x2E00  }
0x69: {  	[tilespmem:s19], [sflag:$0x1] =	stream.indirect.gather [hbm4b:s3+s11], $0x1, s18, s11, $0xb8;
	[tilespmem:$0x6480] =	vst v63  }
0x6a: {  	s18 =	simm.s32 $0xE80;
	s19 =	simm.s32 $0x2E80  }
0x6b: {  	[tilespmem:s19], [sflag:$0x1] =	stream.indirect.gather [hbm4b:s3+s11], $0x1, s18, s11, $0xb8;
	[tilespmem:$0x6480] =	vst v63  }
0x6c: {  	s18 =	simm.s32 $0xF00;
	s19 =	simm.s32 $0x2F00  }
0x6d: {  	[tilespmem:s19], [sflag:$0x1] =	stream.indirect.gather [hbm4b:s3+s11], $0x1, s18, s11, $0xb8;
	[tilespmem:$0x6480] =	vst v63  }
0x6e: {  	s18 =	simm.s32 $0xF80;
	s19 =	simm.s32 $0x2F80  }
0x6f: {  	[tilespmem:s19], [sflag:$0x1] =	stream.indirect.gather [hbm4b:s3+s11], $0x1, s18, s11, $0xb8;
	[tilespmem:$0x6480] =	vst v63  }
0x70: {  	s18 =	simm.s32 $0x1000;
	s19 =	simm.s32 $0x3000  }
0x71: {  	[tilespmem:s19], [sflag:$0x1] =	stream.indirect.gather [hbm4b:s3+s11], $0x1, s18, s11, $0xb8;
	[tilespmem:$0x6480] =	vst v63  }
0x72: {  	s18 =	simm.s32 $0x1080;
	s19 =	simm.s32 $0x3080  }
0x73: {  	[tilespmem:s19], [sflag:$0x1] =	stream.indirect.gather [hbm4b:s3+s11], $0x1, s18, s11, $0xb8;
	[tilespmem:$0x6480] =	vst v63  }
0x74: {  	s18 =	simm.s32 $0x1100;
	s19 =	simm.s32 $0x3100  }
0x75: {  	[tilespmem:s19], [sflag:$0x1] =	stream.indirect.gather [hbm4b:s3+s11], $0x1, s18, s11, $0xb8;
	[tilespmem:$0x6480] =	vst v63  }
0x76: {  	s18 =	simm.s32 $0x1180;
	s19 =	simm.s32 $0x3180  }
0x77: {  	[tilespmem:s19], [sflag:$0x1] =	stream.indirect.gather [hbm4b:s3+s11], $0x1, s18, s11, $0xb8;
	[tilespmem:$0x6480] =	vst v63  }
0x78: {  	s18 =	simm.s32 $0x1200;
	s19 =	simm.s32 $0x3200  }
0x79: {  	[tilespmem:s19], [sflag:$0x1] =	stream.indirect.gather [hbm4b:s3+s11], $0x1, s18, s11, $0xb8;
	[tilespmem:$0x6480] =	vst v63  }
0x7a: {  	s18 =	simm.s32 $0x1280;
	s19 =	simm.s32 $0x3280  }
0x7b: {  	[tilespmem:s19], [sflag:$0x1] =	stream.indirect.gather [hbm4b:s3+s11], $0x1, s18, s11, $0xb8;
	[tilespmem:$0x6480] =	vst v63  }
0x7c: {  	s18 =	simm.s32 $0x1300;
	s19 =	simm.s32 $0x3300  }
0x7d: {  	[tilespmem:s19], [sflag:$0x1] =	stream.indirect.gather [hbm4b:s3+s11], $0x1, s18, s11, $0xb8;
	[tilespmem:$0x6480] =	vst v63  }
0x7e: {  	s18 =	simm.s32 $0x1380;
	s19 =	simm.s32 $0x3380  }
0x7f: {  	[tilespmem:s19], [sflag:$0x1] =	stream.indirect.gather [hbm4b:s3+s11], $0x1, s18, s11, $0xb8;
	[tilespmem:$0x6480] =	vst v63  }
0x80: {  	s18 =	simm.s32 $0x1400;
	s19 =	simm.s32 $0x3400  }
0x81: {  	[tilespmem:s19], [sflag:$0x1] =	stream.indirect.gather [hbm4b:s3+s11], $0x1, s18, s11, $0xb8;
	[tilespmem:$0x6480] =	vst v63  }
0x82: {  	s18 =	simm.s32 $0x1480;
	s19 =	simm.s32 $0x3480  }
0x83: {  	[tilespmem:s19], [sflag:$0x1] =	stream.indirect.gather [hbm4b:s3+s11], $0x1, s18, s11, $0xb8;
	[tilespmem:$0x6480] =	vst v63  }
0x84: {  	s18 =	simm.s32 $0x1500;
	s19 =	simm.s32 $0x3500  }
0x85: {  	[tilespmem:s19], [sflag:$0x1] =	stream.indirect.gather [hbm4b:s3+s11], $0x1, s18, s11, $0xb8;
	[tilespmem:$0x6480] =	vst v63  }
0x86: {  	s18 =	simm.s32 $0x1580;
	s19 =	simm.s32 $0x3580  }
0x87: {  	[tilespmem:s19], [sflag:$0x1] =	stream.indirect.gather [hbm4b:s3+s11], $0x1, s18, s11, $0xb8;
	[tilespmem:$0x6480] =	vst v63  }
0x88: {  	s18 =	simm.s32 $0x1600;
	s19 =	simm.s32 $0x3600  }
0x89: {  	[tilespmem:s19], [sflag:$0x1] =	stream.indirect.gather [hbm4b:s3+s11], $0x1, s18, s11, $0xb8;
	[tilespmem:$0x6480] =	vst v63  }
0x8a: {  	s18 =	simm.s32 $0x1680;
	s19 =	simm.s32 $0x3680  }
0x8b: {  	[tilespmem:s19], [sflag:$0x1] =	stream.indirect.gather [hbm4b:s3+s11], $0x1, s18, s11, $0xb8;
	[tilespmem:$0x6480] =	vst v63  }
0x8c: {  	s18 =	simm.s32 $0x1700;
	s19 =	simm.s32 $0x3700  }
0x8d: {  	[tilespmem:s19], [sflag:$0x1] =	stream.indirect.gather [hbm4b:s3+s11], $0x1, s18, s11, $0xb8;
	[tilespmem:$0x6480] =	vst v63  }
0x8e: {  	s18 =	simm.s32 $0x1780;
	s19 =	simm.s32 $0x3780  }
0x8f: {  	[tilespmem:s19], [sflag:$0x1] =	stream.indirect.gather [hbm4b:s3+s11], $0x1, s18, s11, $0xb8;
	[tilespmem:$0x6480] =	vst v63  }
0x90: {  	s18 =	simm.s32 $0x1800;
	s19 =	simm.s32 $0x3800  }
0x91: {  	[tilespmem:s19], [sflag:$0x1] =	stream.indirect.gather [hbm4b:s3+s11], $0x1, s18, s11, $0xb8;
	[tilespmem:$0x6480] =	vst v63  }
0x92: {  	s18 =	simm.s32 $0x1880;
	s19 =	simm.s32 $0x3880  }
0x93: {  	[tilespmem:s19], [sflag:$0x1] =	stream.indirect.gather [hbm4b:s3+s11], $0x1, s18, s11, $0xb8;
	[tilespmem:$0x6480] =	vst v63  }
0x94: {  	s18 =	simm.s32 $0x1900;
	s19 =	simm.s32 $0x3900  }
0x95: {  	[tilespmem:s19], [sflag:$0x1] =	stream.indirect.gather [hbm4b:s3+s11], $0x1, s18, s11, $0xb8;
	[tilespmem:$0x6480] =	vst v63  }
0x96: {  	s18 =	simm.s32 $0x1980;
	s19 =	simm.s32 $0x3980  }
0x97: {  	[tilespmem:s19], [sflag:$0x1] =	stream.indirect.gather [hbm4b:s3+s11], $0x1, s18, s11, $0xb8;
	[tilespmem:$0x6480] =	vst v63  }
0x98: {  	s18 =	simm.s32 $0x1A00;
	s19 =	simm.s32 $0x3A00  }
0x99: {  	[tilespmem:s19], [sflag:$0x1] =	stream.indirect.gather [hbm4b:s3+s11], $0x1, s18, s11, $0xb8;
	[tilespmem:$0x6480] =	vst v63  }
0x9a: {  	s18 =	simm.s32 $0x1A80;
	s19 =	simm.s32 $0x3A80  }
0x9b: {  	[tilespmem:s19], [sflag:$0x1] =	stream.indirect.gather [hbm4b:s3+s11], $0x1, s18, s11, $0xb8;
	[tilespmem:$0x6480] =	vst v63  }
0x9c: {  	s18 =	simm.s32 $0x1B00;
	s19 =	simm.s32 $0x3B00  }
0x9d: {  	[tilespmem:s19], [sflag:$0x1] =	stream.indirect.gather [hbm4b:s3+s11], $0x1, s18, s11, $0xb8;
	[tilespmem:$0x6480] =	vst v63  }
0x9e: {  	s18 =	simm.s32 $0x1B80;
	s19 =	simm.s32 $0x3B80  }
0x9f: {  	[tilespmem:s19], [sflag:$0x1] =	stream.indirect.gather [hbm4b:s3+s11], $0x1, s18, s11, $0xb8;
	[tilespmem:$0x6480] =	vst v63  }
0xa0: {  	s18 =	simm.s32 $0x1C00;
	s19 =	simm.s32 $0x3C00  }
0xa1: {  	[tilespmem:s19], [sflag:$0x1] =	stream.indirect.gather [hbm4b:s3+s11], $0x1, s18, s11, $0xb8;
	[tilespmem:$0x6480] =	vst v63  }
0xa2: {  	s18 =	simm.s32 $0x1C80;
	s19 =	simm.s32 $0x3C80  }
0xa3: {  	[tilespmem:s19], [sflag:$0x1] =	stream.indirect.gather [hbm4b:s3+s11], $0x1, s18, s11, $0xb8;
	[tilespmem:$0x6480] =	vst v63  }
0xa4: {  	s18 =	simm.s32 $0x1D00;
	s19 =	simm.s32 $0x3D00  }
0xa5: {  	[tilespmem:s19], [sflag:$0x1] =	stream.indirect.gather [hbm4b:s3+s11], $0x1, s18, s11, $0xb8;
	[tilespmem:$0x6480] =	vst v63  }
0xa6: {  	s18 =	simm.s32 $0x1D80;
	s19 =	simm.s32 $0x3D80  }
0xa7: {  	[tilespmem:s19], [sflag:$0x1] =	stream.indirect.gather [hbm4b:s3+s11], $0x1, s18, s11, $0xb8;
	[tilespmem:$0x6480] =	vst v63  }
0xa8: {  	s18 =	simm.s32 $0x1E00;
	s19 =	simm.s32 $0x3E00  }
0xa9: {  	[tilespmem:s19], [sflag:$0x1] =	stream.indirect.gather [hbm4b:s3+s11], $0x1, s18, s11, $0xb8;
	[tilespmem:$0x6480] =	vst v63  }
0xaa: {  	s18 =	simm.s32 $0x1E80;
	s19 =	simm.s32 $0x3E80  }
0xab: {  	[tilespmem:s19], [sflag:$0x1] =	stream.indirect.gather [hbm4b:s3+s11], $0x1, s18, s11, $0xb8;
	[tilespmem:$0x6480] =	vst v63  }
0xac: {  	s18 =	simm.s32 $0x1F00;
	s19 =	simm.s32 $0x3F00  }
0xad: {  	[tilespmem:s19], [sflag:$0x1] =	stream.indirect.gather [hbm4b:s3+s11], $0x1, s18, s11, $0xb8;
	[tilespmem:$0x6480] =	vst v63  }
0xae: {  	s18 =	simm.s32 $0x1F80;
	s19 =	simm.s32 $0x3F80  }
0xaf: {  	[tilespmem:s19], [sflag:$0x1] =	stream.indirect.gather [hbm4b:s3+s11], $0x1, s18, s11, $0xb8;
	[tilespmem:$0x6480] =	vst v63  }
0xb0: {  	s18 =	simm.s32 $0x2000  }
0xb1: {  	[tilespmem:s20], [sflag:$0x1] =	stream.indirect.gather [hbm4b:s3+s11], $0x1, s18, s11, $0xb8;
	[tilespmem:$0x6480] =	vst v63  }
0xb2: {  	_ = 	snop  }
0xb3: {  	[tilespmem:s22], [sflag:$0x1] =	stream.indirect.gather [hbm4b:s3+s11], $0x1, s21, s11, $0xb8;
	[tilespmem:$0x6480] =	vst v63  }
0xb4: {  	_ = 	snop  }
0xb5: {  	[tilespmem:s24], [sflag:$0x1] =	stream.indirect.gather [hbm4b:s3+s11], $0x1, s23, s11, $0xb8;
	[tilespmem:$0x6480] =	vst v63  }
0xb6: {  	_ = 	snop  }
0xb7: {  	[tilespmem:s26], [sflag:$0x1] =	stream.indirect.gather [hbm4b:s3+s11], $0x1, s25, s11, $0xb8;
	[tilespmem:$0x6480] =	vst v63  }
0xb8: {  	_ = 	snop  }
0xb9: {  	[tilespmem:s29], [sflag:$0x1] =	stream.indirect.gather [hbm4b:s3+s11], $0x1, s28, s11, $0xb8;
	[tilespmem:$0x6480] =	vst v63  }
0xba: {  	_ = 	snop  }
0xbb: {  	[tilespmem:s31], [sflag:$0x1] =	stream.indirect.gather [hbm4b:s3+s11], $0x1, s30, s11, $0xb8;
	[tilespmem:$0x6480] =	vst v63  }
0xbc: {  	_ = 	snop  }
0xbd: {  	[tilespmem:s1], [sflag:$0x1] =	stream.indirect.gather [hbm4b:s3+s11], $0x1, s0, s11, $0xb8;
	[tilespmem:$0x6480] =	vst v63  }
0xbe: {  	_ = 	snop  }
0xbf: {  	[tilespmem:s12], [sflag:$0x1] =	stream.indirect.gather [hbm4b:s3+s11], $0x1, s10, s11, $0xb8;
	[tilespmem:$0x6480] =	vst v63  }
0xc0: {  	_ =	swait.ge [sflag:s14], $0x80  }
0xc1: {  	[sflag:s14] =	ssyncset.done $0x0  }
0xc2: {  	[sflag:s14] =	ssyncadd.s32 $0xFFFFFF80  }
0xc3: {  	_ =	swait.ge [sflag:s14], $0x80  }
0xc4: {  	[sflag:s14] =	ssyncset.done $0x0  }
0xc5: {  	[sflag:s14] =	ssyncadd.s32 $0xFFFFFF80  }
0xc6: {  	_ =	swait.ge [sflag:s14], $0x80  }
0xc7: {  	[sflag:s14] =	ssyncset.done $0x0  }
0xc8: {  	[sflag:s14] =	ssyncadd.s32 $0xFFFFFF80  }
0xc9: {  	_ =	swait.ge [sflag:s14], $0x80  }
0xca: {  	[sflag:s14] =	ssyncset.done $0x0  }
0xcb: {  	[sflag:s14] =	ssyncadd.s32 $0xFFFFFF80  }
0xcc: {  	_ =	swait.ge [sflag:s14], $0x80  }
0xcd: {  	[sflag:s14] =	ssyncset.done $0x0  }
0xce: {  	[sflag:s14] =	ssyncadd.s32 $0xFFFFFF80  }
0xcf: {  	_ =	swait.ge [sflag:s14], $0x80  }
0xd0: {  	[sflag:s14] =	ssyncset.done $0x0  }
0xd1: {  	[sflag:s14] =	ssyncadd.s32 $0xFFFFFF80  }
0xd2: {  	_ =	swait.ge [sflag:s14], $0x80  }
0xd3: {  	[sflag:s14] =	ssyncset.done $0x0  }
0xd4: {  	[sflag:s14] =	ssyncadd.s32 $0xFFFFFF80  }
0xd5: {  	_ =	swait.ge [sflag:s14], $0x80  }
0xd6: {  	[sflag:s14] =	ssyncset.done $0x0  }
0xd7: {  	[sflag:s14] =	ssyncadd.s32 $0xFFFFFF80  }
0xd8: {  	_ =	swait.ge [sflag:s14], $0x80  }
0xd9: {  	[sflag:s14] =	ssyncset.done $0x0  }
0xda: {  	[sflag:s14] =	ssyncadd.s32 $0xFFFFFF80  }
0xdb: {  	_ =	swait.ge [sflag:s14], $0x80  }
0xdc: {  	[sflag:s14] =	ssyncset.done $0x0  }
0xdd: {  	[sflag:s14] =	ssyncadd.s32 $0xFFFFFF80  }
0xde: {  	_ =	swait.ge [sflag:s14], $0x80  }
0xdf: {  	[sflag:s14] =	ssyncset.done $0x0  }
0xe0: {  	[sflag:s14] =	ssyncadd.s32 $0xFFFFFF80  }
0xe1: {  	_ =	swait.ge [sflag:s14], $0x80  }
0xe2: {  	[sflag:s14] =	ssyncset.done $0x0  }
0xe3: {  	[sflag:s14] =	ssyncadd.s32 $0xFFFFFF80  }
0xe4: {  	_ =	swait.ge [sflag:s14], $0x80  }
0xe5: {  	[sflag:s14] =	ssyncset.done $0x0  }
0xe6: {  	[sflag:s14] =	ssyncadd.s32 $0xFFFFFF80  }
0xe7: {  	_ =	swait.ge [sflag:s14], $0x80  }
0xe8: {  	[sflag:s14] =	ssyncset.done $0x0  }
0xe9: {  	[sflag:s14] =	ssyncadd.s32 $0xFFFFFF80  }
0xea: {  	_ =	swait.ge [sflag:s14], $0x80  }
0xeb: {  	[sflag:s14] =	ssyncset.done $0x0  }
0xec: {  	[sflag:s14] =	ssyncadd.s32 $0xFFFFFF80  }
0xed: {  	_ =	swait.ge [sflag:s14], $0x80  }
0xee: {  	[sflag:s14] =	ssyncset.done $0x0  }
0xef: {  	[sflag:s14] =	ssyncadd.s32 $0xFFFFFF80  }
0xf0: {  	_ =	swait.ge [sflag:s14], $0x80  }
0xf1: {  	[sflag:s14] =	ssyncset.done $0x0  }
0xf2: {  	[sflag:s14] =	ssyncadd.s32 $0xFFFFFF80  }
0xf3: {  	_ =	swait.ge [sflag:s14], $0x80  }
0xf4: {  	[sflag:s14] =	ssyncset.done $0x0  }
0xf5: {  	[sflag:s14] =	ssyncadd.s32 $0xFFFFFF80  }
0xf6: {  	_ =	swait.ge [sflag:s14], $0x80  }
0xf7: {  	[sflag:s14] =	ssyncset.done $0x0  }
0xf8: {  	[sflag:s14] =	ssyncadd.s32 $0xFFFFFF80  }
0xf9: {  	_ =	swait.ge [sflag:s14], $0x80  }
0xfa: {  	[sflag:s14] =	ssyncset.done $0x0  }
0xfb: {  	[sflag:s14] =	ssyncadd.s32 $0xFFFFFF80  }
0xfc: {  	_ =	swait.ge [sflag:s14], $0x80  }
0xfd: {  	[sflag:s14] =	ssyncset.done $0x0  }
0xfe: {  	[sflag:s14] =	ssyncadd.s32 $0xFFFFFF80  }
0xff: {  	_ =	swait.ge [sflag:s14], $0x80  }
0x100: {  	[sflag:s14] =	ssyncset.done $0x0  }
0x101: {  	[sflag:s14] =	ssyncadd.s32 $0xFFFFFF80  }
0x102: {  	_ =	swait.ge [sflag:s14], $0x80  }
0x103: {  	[sflag:s14] =	ssyncset.done $0x0  }
0x104: {  	[sflag:s14] =	ssyncadd.s32 $0xFFFFFF80  }
0x105: {  	_ =	swait.ge [sflag:s14], $0x80  }
0x106: {  	[sflag:s14] =	ssyncset.done $0x0  }
0x107: {  	[sflag:s14] =	ssyncadd.s32 $0xFFFFFF80  }
0x108: {  	_ =	swait.ge [sflag:s14], $0x80  }
0x109: {  	[sflag:s14] =	ssyncset.done $0x0  }
0x10a: {  	[sflag:s14] =	ssyncadd.s32 $0xFFFFFF80  }
0x10b: {  	_ =	swait.ge [sflag:s14], $0x80  }
0x10c: {  	[sflag:s14] =	ssyncset.done $0x0  }
0x10d: {  	[sflag:s14] =	ssyncadd.s32 $0xFFFFFF80  }
0x10e: {  	_ =	swait.ge [sflag:s14], $0x80  }
0x10f: {  	[sflag:s14] =	ssyncset.done $0x0  }
0x110: {  	[sflag:s14] =	ssyncadd.s32 $0xFFFFFF80  }
0x111: {  	_ =	swait.ge [sflag:s14], $0x80  }
0x112: {  	[sflag:s14] =	ssyncset.done $0x0  }
0x113: {  	[sflag:s14] =	ssyncadd.s32 $0xFFFFFF80  }
0x114: {  	_ =	swait.ge [sflag:s14], $0x80  }
0x115: {  	[sflag:s14] =	ssyncset.done $0x0  }
0x116: {  	[sflag:s14] =	ssyncadd.s32 $0xFFFFFF80  }
0x117: {  	_ =	swait.ge [sflag:s14], $0x80  }
0x118: {  	[sflag:s14] =	ssyncset.done $0x0  }
0x119: {  	[sflag:s14] =	ssyncadd.s32 $0xFFFFFF80  }
0x11a: {  	_ =	swait.ge [sflag:s14], $0x80  }
0x11b: {  	[sflag:s14] =	ssyncset.done $0x0  }
0x11c: {  	[sflag:s14] =	ssyncadd.s32 $0xFFFFFF80  }
0x11d: {  	_ =	swait.ge [sflag:s14], $0x80  }
0x11e: {  	[sflag:s14] =	ssyncset.done $0x0  }
0x11f: {  	[sflag:s14] =	ssyncadd.s32 $0xFFFFFF80  }
0x120: {  	_ =	swait.ge [sflag:s14], $0x80  }
0x121: {  	[sflag:s14] =	ssyncset.done $0x0  }
0x122: {  	[sflag:s14] =	ssyncadd.s32 $0xFFFFFF80  }
0x123: {  	_ =	swait.ge [sflag:s14], $0x80  }
0x124: {  	[sflag:s14] =	ssyncset.done $0x0  }
0x125: {  	[sflag:s14] =	ssyncadd.s32 $0xFFFFFF80  }
0x126: {  	_ =	swait.ge [sflag:s14], $0x80  }
0x127: {  	[sflag:s14] =	ssyncset.done $0x0  }
0x128: {  	[sflag:s14] =	ssyncadd.s32 $0xFFFFFF80  }
0x129: {  	_ =	swait.ge [sflag:s14], $0x80  }
0x12a: {  	[sflag:s14] =	ssyncset.done $0x0  }
0x12b: {  	[sflag:s14] =	ssyncadd.s32 $0xFFFFFF80  }
0x12c: {  	_ =	swait.ge [sflag:s14], $0x80  }
0x12d: {  	[sflag:s14] =	ssyncset.done $0x0  }
0x12e: {  	[sflag:s14] =	ssyncadd.s32 $0xFFFFFF80  }
0x12f: {  	_ =	swait.ge [sflag:s14], $0x80  }
0x130: {  	[sflag:s14] =	ssyncset.done $0x0  }
0x131: {  	[sflag:s14] =	ssyncadd.s32 $0xFFFFFF80  }
0x132: {  	_ =	swait.ge [sflag:s14], $0x80  }
0x133: {  	[sflag:s14] =	ssyncset.done $0x0  }
0x134: {  	[sflag:s14] =	ssyncadd.s32 $0xFFFFFF80  }
0x135: {  	_ =	swait.ge [sflag:s14], $0x80  }
0x136: {  	[sflag:s14] =	ssyncset.done $0x0  }
0x137: {  	[sflag:s14] =	ssyncadd.s32 $0xFFFFFF80  }
0x138: {  	_ =	swait.ge [sflag:s14], $0x80  }
0x139: {  	[sflag:s14] =	ssyncset.done $0x0  }
0x13a: {  	[sflag:s14] =	ssyncadd.s32 $0xFFFFFF80  }
0x13b: {  	_ =	swait.ge [sflag:s14], $0x80  }
0x13c: {  	[sflag:s14] =	ssyncset.done $0x0  }
0x13d: {  	[sflag:s14] =	ssyncadd.s32 $0xFFFFFF80  }
0x13e: {  	_ =	swait.ge [sflag:s14], $0x80  }
0x13f: {  	[sflag:s14] =	ssyncset.done $0x0  }
0x140: {  	[sflag:s14] =	ssyncadd.s32 $0xFFFFFF80  }
0x141: {  	_ =	swait.ge [sflag:s14], $0x80  }
0x142: {  	[sflag:s14] =	ssyncset.done $0x0  }
0x143: {  	[sflag:s14] =	ssyncadd.s32 $0xFFFFFF80  }
0x144: {  	_ =	swait.ge [sflag:s14], $0x80  }
0x145: {  	[sflag:s14] =	ssyncset.done $0x0  }
0x146: {  	[sflag:s14] =	ssyncadd.s32 $0xFFFFFF80  }
0x147: {  	_ =	swait.ge [sflag:s14], $0x80  }
0x148: {  	[sflag:s14] =	ssyncset.done $0x0  }
0x149: {  	[sflag:s14] =	ssyncadd.s32 $0xFFFFFF80  }
0x14a: {  	_ =	swait.ge [sflag:s14], $0x80  }
0x14b: {  	[sflag:s14] =	ssyncset.done $0x0  }
0x14c: {  	[sflag:s14] =	ssyncadd.s32 $0xFFFFFF80  }
0x14d: {  	_ =	swait.ge [sflag:s14], $0x80  }
0x14e: {  	[sflag:s14] =	ssyncset.done $0x0  }
0x14f: {  	[sflag:s14] =	ssyncadd.s32 $0xFFFFFF80  }
0x150: {  	_ =	swait.ge [sflag:s14], $0x80  }
0x151: {  	[sflag:s14] =	ssyncset.done $0x0  }
0x152: {  	[sflag:s14] =	ssyncadd.s32 $0xFFFFFF80  }
0x153: {  	_ =	swait.ge [sflag:s14], $0x80  }
0x154: {  	[sflag:s14] =	ssyncset.done $0x0  }
0x155: {  	[sflag:s14] =	ssyncadd.s32 $0xFFFFFF80  }
0x156: {  	_ =	swait.ge [sflag:s14], $0x80  }
0x157: {  	[sflag:s14] =	ssyncset.done $0x0  }
0x158: {  	[sflag:s14] =	ssyncadd.s32 $0xFFFFFF80  }
0x159: {  	_ =	swait.ge [sflag:s14], $0x80  }
0x15a: {  	[sflag:s14] =	ssyncset.done $0x0  }
0x15b: {  	[sflag:s14] =	ssyncadd.s32 $0xFFFFFF80  }
0x15c: {  	_ =	swait.ge [sflag:s14], $0x80  }
0x15d: {  	[sflag:s14] =	ssyncset.done $0x0  }
0x15e: {  	[sflag:s14] =	ssyncadd.s32 $0xFFFFFF80  }
0x15f: {  	_ =	swait.ge [sflag:s14], $0x80  }
0x160: {  	[sflag:s14] =	ssyncset.done $0x0  }
0x161: {  	[sflag:s14] =	ssyncadd.s32 $0xFFFFFF80  }
0x162: {  	_ =	swait.ge [sflag:s14], $0x80  }
0x163: {  	[sflag:s14] =	ssyncset.done $0x0  }
0x164: {  	[sflag:s14] =	ssyncadd.s32 $0xFFFFFF80  }
0x165: {  	_ =	swait.ge [sflag:s14], $0x80  }
0x166: {  	[sflag:s14] =	ssyncset.done $0x0  }
0x167: {  	[sflag:s14] =	ssyncadd.s32 $0xFFFFFF80  }
0x168: {  	_ =	swait.ge [sflag:s14], $0x80  }
0x169: {  	[sflag:s14] =	ssyncset.done $0x0  }
0x16a: {  	[sflag:s14] =	ssyncadd.s32 $0xFFFFFF80  }
0x16b: {  	_ =	swait.ge [sflag:s14], $0x80  }
0x16c: {  	[sflag:s14] =	ssyncset.done $0x0  }
0x16d: {  	[sflag:s14] =	ssyncadd.s32 $0xFFFFFF80  }
0x16e: {  	_ =	swait.ge [sflag:s14], $0x80  }
0x16f: {  	[sflag:s14] =	ssyncset.done $0x0  }
0x170: {  	[sflag:s14] =	ssyncadd.s32 $0xFFFFFF80  }
0x171: {  	_ =	swait.ge [sflag:s14], $0x80  }
0x172: {  	[sflag:s14] =	ssyncset.done $0x0  }
0x173: {  	[sflag:s14] =	ssyncadd.s32 $0xFFFFFF80  }
0x174: {  	_ =	swait.ge [sflag:s14], $0x80  }
0x175: {  	[sflag:s14] =	ssyncset.done $0x0  }
0x176: {  	[sflag:s14] =	ssyncadd.s32 $0xFFFFFF80  }
0x177: {  	_ =	swait.ge [sflag:s14], $0x80  }
0x178: {  	[sflag:s14] =	ssyncset.done $0x0  }
0x179: {  	[sflag:s14] =	ssyncadd.s32 $0xFFFFFF80  }
0x17a: {  	_ =	swait.ge [sflag:s14], $0x80  }
0x17b: {  	[sflag:s14] =	ssyncset.done $0x0  }
0x17c: {  	[sflag:s14] =	ssyncadd.s32 $0xFFFFFF80  }
0x17d: {  	_ =	swait.ge [sflag:s14], $0x80  }
0x17e: {  	[sflag:s14] =	ssyncset.done $0x0  }
0x17f: {  	s19 =	simm.s32 $0x0;
	[sflag:s14] =	ssyncadd.s32 $0xFFFFFF80  }
0x180: {  	v10 =	vld [tilespmem:s19+$0x2400]  }
0x181: {  	v11 =	vld [tilespmem:s19+$0x4400];
	_ =	sdelay $0x2  }
0x182: {  	v9 =	vimm.f32 $0.0e+00;
	s17 =	simm.s32 $0x40  }
.LBB2_4:
0x183: {  	s18 =	sshra.s32 s17, $0x2;
	p0 =	sne.s32 s17, $0x7FC0  }
.Ltmp1:
0x184: {  	s17 =	sadd.s32 $0x40, s17;
	v12 =	vsub.f32 v10, v11;
	v10 =	vld [tilespmem:s18+$0x2400];
	(pc) =	sbr.rel @p0 .LBB2_4-.Ltmp1, $3  }
0x185: {  	v11 =	vld [tilespmem:s18+$0x4400]  }
0x186: {  	v12 =	vmul.f32 v12, v12;
	_ =	sdelay $0x1  }
0x187: {  	v9 =	vadd.f32 v12, v9  }
0x188: {  	_ = 	snop  }
0x189: {  	v10 =	vsub.f32 v10, v11;
	_ =	sdelay $0x1  }
0x18a: {  	v10 =	vmul.f32 v10, v10;
	_ =	sdelay $0x1  }
0x18b: {  	v9 =	vadd.f32 v10, v9;
	_ =	sdelay $0x1  }
0x18c: {  	[tilespmem:$0x6400] =	vst v9  }
0x18d: {  	[hbm4b:s6+s2] =	stream.linear.scatter [tilespmem:s13], [sflag:$0x2], $0x2000, $0x38;
	[tilespmem:$0x6480] =	vst v63  }
0x18e: {  	s16 =	sadd.s32 $0x1, s16;
	_ =	swait.ge [sflag:s9], $0x2000  }
0x18f: {  	p0 =	sne.s32 s16, s8;
	[sflag:s9] =	ssyncset.done $0x0  }
.Ltmp2:
0x190: {  	[sflag:s9] =	ssyncadd.s32 $0xFFFFE000;
	(pc) =	sbr.rel @p0 .LBB2_1-.Ltmp2, $4  }
0x191: {  	[hbm4b:s7+s2] =	stream.linear.scatter [tilespmem:s15], [sflag:$0x2], $0x10, $0x38;
	[tilespmem:$0x6480] =	vst v63  }
0x192: {  	_ =	swait.ge [sflag:s9], $0x10  }
0x193: {  	[sflag:s9] =	ssyncset.done $0x0  }
0x194: {  	[sflag:s9] =	ssyncadd.s32 $0xFFFFFFF0  }
0x195: {  	_ =	sfence.sel $0x180000  }
0x196: {  	[bflag:$0x0] =	sbarrier.arrive $0xFFFF  }
0x197: {  	_ =	strace $0x90000047  }
0x198: {  	s0 =	stileid.u32;
	[bflag:$0x2] =	sbarrier.arrive $0xFFFF  }
0x199: {  	p0 =	sne.s32 s0, $0x0;
	s0 =	rddreg [dreg:$0x3]  }
0x19a: {  	s0 =	sadd.s32 @!p0 $0x100000, s0  }
0x19b: {  	[sflag:s0] =	ssyncadd.tile.s32 @!p0 $0x1;
	_ =	shalt  }
.Lfunc_end2:
_tile_overlayer_lowered:
.L_overlay_start_2:
0x19c: {  	(tag) =	ssettag $0x2  }
0x19d: {  	s0 =	rddreg [dreg:$0x0];
	s2 =	stileid.u32  }
0x19e: {  	s1 =	rddreg [dreg:$0x1];
	p0 =	sne.s32 s2, $0x0  }
0x19f: {  	s3 =	rddreg [dreg:$0x2];
	[bflag:$0x3] =	sbarrier.arrive $0xFFFF;
	s2 =	simm.s32 @!p0 $0x1C02  }
0x1a0: {  	[timem:s3], [sflag:s2] =	dma.local @!p0 [hbm:s0], s1  }
0x1a1: {  	s0 =	simm.s32 @!p0 $0x2  }
0x1a2: {  	_ =	swait.ge @!p0 [sflag:s0], s1  }
0x1a3: {  	s1 =	ssub.s32 @!p0 $0x0, s1;
	[sflag:s0] =	ssyncset.done @!p0 $0x0  }
0x1a4: {  	[sflag:s0] =	ssyncadd.s32 @!p0 s1  }
0x1a5: {  	[bflag:$0x3] =	sbarrier.arrive $0xFFFF  }
0x1a6: {  	_ =	shalt  }

</sc_bundles>
